<compile_context>
chip_gen: v7x
topology: tpu7x:2x2x1
jax: 0.10.2.dev20260603
libtpu: 0.0.44.dev20260713+nightly
codegen_flags: <defaults>
</compile_context>

<pallas_src>
import functools

import jax
import jax.numpy as jnp
import numpy as np
from jax import lax
from jax.experimental import pallas as pl
from jax.experimental.pallas import tpu as pltpu
from jax.experimental.pallas import tpu_sc as plsc

_SR = 24000
_IR_LEN = 1200
_N_DELAYS = 8
_EARLY_LEN = 200
_B = 4096

_C_EARLY = 0
_C_IN = 200
_C_OUT = 208
_C_GAP = 216
_C_DAP = 248
_C_T0 = 280
_C_ALPHA = 281
_DP = 384

_NC = 2
_NS = 16
_NW = _NC * _NS
_BPW = _B // _NW

_BB = 256
_GRID = _B // _BB


def _sc_gather(table, idx):
    mesh = plsc.VectorSubcoreMesh(core_axis_name="c", subcore_axis_name="s")

    @functools.partial(
        pl.kernel,
        mesh=mesh,
        out_type=jax.ShapeDtypeStruct((_B, _DP), jnp.float32),
        scratch_types=[
            pltpu.VMEM((_BPW,), jnp.int32),
            pltpu.VMEM((_BPW, _DP), jnp.float32),
            pltpu.SemaphoreType.DMA,
        ],
    )
    def k(table_hbm, idx_hbm, out_hbm, idx_v, rows_v, sem):
        wid = lax.axis_index("s") * _NC + lax.axis_index("c")
        base = wid * _BPW
        pltpu.sync_copy(idx_hbm.at[pl.ds(base, _BPW)], idx_v)
        pltpu.async_copy(table_hbm.at[idx_v], rows_v, sem).wait()
        pltpu.sync_copy(rows_v, out_hbm.at[pl.ds(base, _BPW)])

    return k(table, idx)


_CHUNK = 128
_NCHUNK = -(-_IR_LEN // _CHUNK)
_TPAD = _NCHUNK * _CHUNK

_PI_HI = 3.140625
_PI_LO = 9.6765358979e-04


def _sincos(x):
    m = jnp.floor(x * (1.0 / np.pi) + 0.5)
    xr = (x - m * _PI_HI) - m * _PI_LO
    sign = jnp.where((m.astype(jnp.int32) & 1) == 0, 1.0, -1.0)
    x2 = xr * xr
    s = xr * (9.9999997142e-01 + x2 * (-1.6666644356e-01 + x2 * (
        8.3328452197e-03 + x2 * (-1.9797596713e-04 + x2 * 2.5839377224e-06))))
    c = 9.9999999972e-01 + x2 * (-4.9999999217e-01 + x2 * (
        4.1666631034e-02 + x2 * (-1.3888295076e-03 + x2 * (
            2.4756776889e-05 + x2 * -2.5991777261e-07))))
    return sign * s, sign * c


def _exp(x):
    y = x * 1.4426950408889634
    i = jnp.floor(y + 0.5)
    f = y - i
    p = (1.0000000524e+00 + f * (6.9314720012e-01 + f * (
        2.4022210868e-01 + f * (5.5503405420e-02 + f * (
            9.6708152332e-03 + f * 1.3395340821e-03)))))
    ii = jnp.clip(i.astype(jnp.int32), -126, 127)
    scale = lax.bitcast_convert_type((ii + 127) << 23, jnp.float32)
    return jnp.where(x < -87.0, 0.0, scale * p)


def _synth_body(w_ref, g_ref, o_ref):
    g = g_ref[...]
    w = w_ref[...]
    p = lax.dot_general(g, w, (((1,), (0,)), ((), ())),
                        preferred_element_type=jnp.float32)
    ing = p[:, 0:8]
    outg = p[:, 8:16]
    gm = p[:, 16:24]
    dm = p[:, 24:32]
    t0c = jnp.maximum(p[:, 32:33], 1e-3)
    a_raw = p[:, 33:34]

    j = lax.broadcasted_iota(jnp.int32, (_BB, _CHUNK), 1).astype(jnp.float32)

    r = (-6.907755 / _SR) / t0c
    env_base = _exp(r * j)
    env_step = env_base[:, 64:65] * env_base[:, 64:65]
    alpha = 1.0 / (1.0 + _exp(-a_raw))

    sp = jnp.maximum(dm, 0.0) + jnp.log1p(_exp(-jnp.abs(dm)))
    k = (2.0 * jnp.pi / _SR) * (50.0 + 400.0 * sp)
    gain = ing * outg * jnp.tanh(gm)
    step_s, step_c = _sincos(k * float(_CHUNK))

    gbs, gbc = [], []
    for d in range(_N_DELAYS):
        kd = k[:, d:d + 1]
        gd = gain[:, d:d + 1]
        bs, bc = _sincos(kd * j)
        gbs.append((gd * bs).astype(jnp.bfloat16))
        gbc.append((gd * bc).astype(jnp.bfloat16))

    s_c = jnp.zeros((_BB, _N_DELAYS), jnp.float32)
    c_c = jnp.ones((_BB, _N_DELAYS), jnp.float32)
    dstep_s = step_s * env_step
    dstep_c = step_c * env_step
    late_chunks = []
    for c in range(_NCHUNK):
        acc = jnp.zeros((_BB, _CHUNK), jnp.float32)
        for d in range(_N_DELAYS):
            acc = (acc + s_c[:, d:d + 1] * gbc[d].astype(jnp.float32)
                   + c_c[:, d:d + 1] * gbs[d].astype(jnp.float32))
        s_c, c_c = (s_c * dstep_c + c_c * dstep_s,
                    c_c * dstep_c - s_c * dstep_s)
        late_chunks.append(acc * env_base)
    late = jnp.concatenate(late_chunks, axis=1)

    late_shift = jnp.concatenate([late[:, :1], late[:, :-1]], axis=1)
    smoothed = 0.5 * (late + late_shift)
    late = alpha * smoothed + (1.0 - alpha) * late

    early_pad = jnp.concatenate(
        [g[:, _C_EARLY:_C_EARLY + _EARLY_LEN],
         jnp.zeros((_BB, _TPAD - _EARLY_LEN), jnp.float32)], axis=1)
    out = early_pad + late
    o_ref[...] = out[:, :_IR_LEN]


def _param_matrix():
    w = np.zeros((_DP, 128), np.float32)
    for d in range(_N_DELAYS):
        w[_C_IN + d, d] = 1.0
        w[_C_OUT + d, 8 + d] = 1.0
        for q in range(4):
            w[_C_GAP + 4 * d + q, 16 + d] = 0.25
            w[_C_DAP + 4 * d + q, 24 + d] = 0.25
    w[_C_T0, 32] = 1.0
    w[_C_ALPHA, 33] = 1.0
    return jnp.asarray(w)


def _tc_synth(gathered):
    return pl.pallas_call(
        _synth_body,
        grid=(_GRID,),
        in_specs=[
            pl.BlockSpec((_DP, 128), lambda i: (0, 0)),
            pl.BlockSpec((_BB, _DP), lambda i: (i, 0)),
        ],
        out_specs=pl.BlockSpec((_BB, _IR_LEN), lambda i: (i, 0)),
        out_shape=jax.ShapeDtypeStruct((_B, _IR_LEN), jnp.float32),
    )(_param_matrix(), gathered)


def kernel(piano_model, W_input_gain, W_output_gain, W_gain_allpass,
           W_delays_allpass, W_time_rev0, W_alpha_tone, W_early_ir):
    n_instr = W_input_gain.shape[0]
    table = jnp.concatenate([
        W_early_ir,
        W_input_gain,
        W_output_gain,
        W_gain_allpass,
        W_delays_allpass,
        W_time_rev0,
        W_alpha_tone,
        jnp.zeros((n_instr, _DP - 282), jnp.float32),
    ], axis=1)
    idx = piano_model.astype(jnp.int32)
    gathered = _sc_gather(table, idx)
    return _tc_synth(gathered)

# --- scband reference (transcript-rebuilt; emitter-appended) ---
"""Pipeline reference for scband-multi-instrument-feedback-delay-reverb-74165495267408 (READ-ONLY COPY).

The authoritative reference and input builder live on the scoring server;
editing this copy changes nothing except your own understanding.
"""

import jax, jax.numpy as jnp
import numpy as np

SR = 24000
IR_LEN = 1200
N_DELAYS = 8
EARLY_LEN = 200
N_INSTR = 1000
B = 4096


def setup_inputs(seed: int = 0) -> dict:
    key = jax.random.key(seed)
    ks = jax.random.split(key, 8)
    return {
        "piano_model": jax.random.randint(ks[0], (B,), 0, N_INSTR, dtype=jnp.int64 if jax.config.jax_enable_x64 else jnp.int32),
        "W_input_gain": jax.random.normal(ks[1], (N_INSTR, N_DELAYS), jnp.float32) * 0.1,
        "W_output_gain": jax.random.normal(ks[2], (N_INSTR, N_DELAYS), jnp.float32) * 0.1,
        "W_gain_allpass": jax.random.normal(ks[3], (N_INSTR, 4 * N_DELAYS), jnp.float32) * 0.1,
        "W_delays_allpass": jax.random.normal(ks[4], (N_INSTR, 4 * N_DELAYS), jnp.float32) * 0.1,
        "W_time_rev0": jax.random.normal(ks[5], (N_INSTR, 1), jnp.float32) * 0.1 + 0.5,
        "W_alpha_tone": jax.random.normal(ks[6], (N_INSTR, 1), jnp.float32) * 0.1,
        "W_early_ir": jax.random.normal(ks[7], (N_INSTR, EARLY_LEN), jnp.float32) * 0.05,
    }


def _fdn_get_ir(in_gain, out_gain, g_ap, d_ap, t0, alpha, early):
    # Stand-in for FeedbackDelayNetwork.get_ir (class not provided in source):
    # synthesizes an exponentially decaying, per-delay-line modal IR that
    # consumes every conditioning parameter, plus the learned early IR.
    t = jnp.arange(IR_LEN, dtype=jnp.float32) / SR  # [T]
    t0c = jnp.clip(t0, 1e-3, None)  # [B,1]
    env = jnp.exp(-6.907755 * t[None, :] / t0c)  # RT60-style decay, [B,T]
    freqs = 50.0 + 400.0 * jax.nn.softplus(d_ap.mean(axis=-1))  # [B,D]
    gains = in_gain * out_gain * jnp.tanh(g_ap.mean(axis=-1))   # [B,D]
    osc = jnp.sin(2.0 * jnp.pi * freqs[:, :, None] * t[None, None, :])  # [B,D,T]
    late = (gains[:, :, None] * osc).sum(axis=1) * env  # [B,T]
    smoothed = jnp.concatenate([late[:, :1], 0.5 * (late[:, 1:] + late[:, :-1])], axis=-1)
    late = alpha * smoothed + (1.0 - alpha) * late
    early_pad = jnp.pad(early, ((0, 0), (0, IR_LEN - EARLY_LEN)))
    return early_pad + late


def reference(piano_model, W_input_gain, W_output_gain, W_gain_allpass, W_delays_allpass, W_time_rev0, W_alpha_tone, W_early_ir):
    # Embedding lookups (gather -> SparseCore)
    in_gain = jnp.take(W_input_gain, piano_model, axis=0)      # [B,D]
    out_gain = jnp.take(W_output_gain, piano_model, axis=0)    # [B,D]
    g_ap = jnp.take(W_gain_allpass, piano_model, axis=0).reshape(-1, N_DELAYS, 4)
    d_ap = jnp.take(W_delays_allpass, piano_model, axis=0).reshape(-1, N_DELAYS, 4)
    t0 = jax.nn.relu(jnp.take(W_time_rev0, piano_model, axis=0))       # [B,1]
    alpha = jax.nn.sigmoid(jnp.take(W_alpha_tone, piano_model, axis=0))  # [B,1]
    early = jnp.take(W_early_ir, piano_model, axis=0)           # [B,EARLY_LEN]
    return _fdn_get_ir(in_gain, out_gain, g_ap, d_ap, t0, alpha, early)

if __name__ == "__main__":
    import jax
    _d = setup_inputs()
    print(jax.jit(kernel)(*tuple(_d.values())))

</pallas_src>

<mosaic_0001>
#map = affine_map<(d0, d1) -> (0, 0)>
#map1 = affine_map<(d0, d1) -> (0)>
module attributes {stable_mosaic.version = 14 : i64} {
  func.func @k(%arg0: i32, %arg1: i32, %arg2: memref<1000x384xf32, #tpu.memory_space<hbm>>, %arg3: memref<4096xi32, #tpu.memory_space<hbm>>, %arg4: memref<4096x384xf32, #tpu.memory_space<hbm>>, %arg5: memref<128xi32, #tpu.memory_space<vmem>>, %arg6: memref<128x384xf32, #tpu.memory_space<vmem>>, %arg7: memref<!tpu.dma_semaphore, #tpu.memory_space<semaphore_mem>>) attributes {dimension_semantics = [#tpu.dimension_semantics<core_parallel>, #tpu.dimension_semantics<subcore_parallel>], iteration_bounds = array<i64: 2, 16>, scalar_prefetch = 0 : i64, scratch_operands = 3 : i64, tpu.core_type = #tpu.core_type<sc_vector_subcore>, window_params = [{transform_indices = #map}, {transform_indices = #map1}, {transform_indices = #map}]} {
    %mul3A = arith.constant 2 : i32
    %mul3A_0 = arith.muli %arg1, %mul3A : i32
    %add3A = arith.addi %mul3A_0, %arg0 : i32
    %mul3A_1 = arith.constant 128 : i32
    %mul3A_2 = arith.muli %add3A, %mul3A_1 : i32
    "tpu.region"() ({
      %run_scoped3A = tpu.sem_alloc : memref<!tpu.dma_semaphore, #tpu.memory_space<semaphore_mem>>
      %dma_start3A_7 = tpu.memref_slice %arg3[%mul3A_2] : memref<4096xi32, #tpu.memory_space<hbm>> -> memref<128xi32, #tpu.memory_space<hbm>>
      %dma_start3A_8 = tpu.memref_slice %arg3[%mul3A_2] : memref<4096xi32, #tpu.memory_space<hbm>> -> memref<128xi32, #tpu.memory_space<hbm>>
      tpu.enqueue_dma source(%dma_start3A_8 : memref<128xi32, #tpu.memory_space<hbm>>) target(%arg5 : memref<128xi32, #tpu.memory_space<vmem>>) target_semaphore(%run_scoped3A : memref<!tpu.dma_semaphore, #tpu.memory_space<semaphore_mem>>)
      %dma_wait3A_9 = tpu.memref_slice %arg3[%mul3A_2] : memref<4096xi32, #tpu.memory_space<hbm>> -> memref<128xi32, #tpu.memory_space<hbm>>
      %dma_wait3A_10 = tpu.memref_slice %arg3[%mul3A_2] : memref<4096xi32, #tpu.memory_space<hbm>> -> memref<128xi32, #tpu.memory_space<hbm>>
      tpu.wait_dma2 semaphore(%run_scoped3A : memref<!tpu.dma_semaphore, #tpu.memory_space<semaphore_mem>>) src(%dma_wait3A_10 : memref<128xi32, #tpu.memory_space<hbm>>) dst(%arg5 : memref<128xi32, #tpu.memory_space<vmem>>)
      tpu.yield
    }) : () -> ()
    %dma_start3A = arith.constant 0 : i32
    %dma_start3A_3 = arith.constant 0 : i32
    %dma_start3A_4 = tpu.memref_slice %arg2[%dma_start3A, %dma_start3A_3] : memref<1000x384xf32, #tpu.memory_space<hbm>> -> memref<1000x384xf32, #tpu.memory_space<hbm>>
    tpu.enqueue_indirect_dma source(%dma_start3A_4 : memref<1000x384xf32, #tpu.memory_space<hbm>>) target(%arg6 : memref<128x384xf32, #tpu.memory_space<vmem>>) offsets(%arg5 : memref<128xi32, #tpu.memory_space<vmem>>) semaphore(%arg7 : memref<!tpu.dma_semaphore, #tpu.memory_space<semaphore_mem>>)
    %dma_wait3A = arith.constant 0 : i32
    %dma_wait3A_5 = arith.constant 0 : i32
    %dma_wait3A_6 = tpu.memref_slice %arg2[%dma_wait3A, %dma_wait3A_5] : memref<1000x384xf32, #tpu.memory_space<hbm>> -> memref<1000x384xf32, #tpu.memory_space<hbm>>
    tpu.wait_indirect_dma semaphore(%arg7 : memref<!tpu.dma_semaphore, #tpu.memory_space<semaphore_mem>>) src(%dma_wait3A_6 : memref<1000x384xf32, #tpu.memory_space<hbm>>) dst(%arg6 : memref<128x384xf32, #tpu.memory_space<vmem>>)
    "tpu.region"() ({
      %run_scoped3A = tpu.sem_alloc : memref<!tpu.dma_semaphore, #tpu.memory_space<semaphore_mem>>
      %dma_start3A_7 = arith.constant 0 : i32
      %dma_start3A_8 = tpu.memref_slice %arg4[%mul3A_2, %dma_start3A_7] : memref<4096x384xf32, #tpu.memory_space<hbm>> -> memref<128x384xf32, #tpu.memory_space<hbm>>
      %dma_start3A_9 = arith.constant 0 : i32
      %dma_start3A_10 = tpu.memref_slice %arg4[%mul3A_2, %dma_start3A_9] : memref<4096x384xf32, #tpu.memory_space<hbm>> -> memref<128x384xf32, #tpu.memory_space<hbm>>
      tpu.enqueue_dma source(%arg6 : memref<128x384xf32, #tpu.memory_space<vmem>>) target(%dma_start3A_10 : memref<128x384xf32, #tpu.memory_space<hbm>>) target_semaphore(%run_scoped3A : memref<!tpu.dma_semaphore, #tpu.memory_space<semaphore_mem>>)
      %dma_wait3A_11 = arith.constant 0 : i32
      %dma_wait3A_12 = tpu.memref_slice %arg4[%mul3A_2, %dma_wait3A_11] : memref<4096x384xf32, #tpu.memory_space<hbm>> -> memref<128x384xf32, #tpu.memory_space<hbm>>
      %dma_wait3A_13 = arith.constant 0 : i32
      %dma_wait3A_14 = tpu.memref_slice %arg4[%mul3A_2, %dma_wait3A_13] : memref<4096x384xf32, #tpu.memory_space<hbm>> -> memref<128x384xf32, #tpu.memory_space<hbm>>
      tpu.wait_dma2 semaphore(%run_scoped3A : memref<!tpu.dma_semaphore, #tpu.memory_space<semaphore_mem>>) src(%arg6 : memref<128x384xf32, #tpu.memory_space<vmem>>) dst(%dma_wait3A_14 : memref<128x384xf32, #tpu.memory_space<hbm>>)
      tpu.yield
    }) : () -> ()
    return
  }
}

module attributes {stable_mosaic.version = 14 : i64} {
  func.func @_synth_body(%arg0: i32, %arg1: memref<384x128xf32, #tpu.memory_space<vmem>>, %arg2: memref<256x384xf32, #tpu.memory_space<vmem>>, %arg3: memref<256x1200xf32, #tpu.memory_space<vmem>>) attributes {dimension_semantics = [#tpu.dimension_semantics<arbitrary>], iteration_bounds = array<i64: 16>, scalar_prefetch = 0 : i64, scratch_operands = 0 : i64, tpu.core_type = #tpu.core_type<tc>, window_params = [{pipeline_mode = #tpu.pipeline_mode<synchronous>, transform_indices = @transform_0, window_bounds = array<i64: 384, 128>}, {transform_indices = @transform_1, window_bounds = array<i64: 256, 384>}, {transform_indices = @transform_2, window_bounds = array<i64: 256, 1200>}]} {
    %get3A = arith.constant 0 : index
    %get3A_0 = arith.constant 0 : index
    %get3A_1 = vector.load %arg2[%get3A, %get3A_0] : memref<256x384xf32, #tpu.memory_space<vmem>>, vector<256x384xf32>
    %get3A_2 = arith.constant 0 : index
    %get3A_3 = arith.constant 0 : index
    %get3A_4 = vector.load %arg1[%get3A_2, %get3A_3] : memref<384x128xf32, #tpu.memory_space<vmem>>, vector<384x128xf32>
    %dot_general3A = arith.constant dense<0.000000e+00> : vector<256x128xf32>
    %dot_general3A_5 = tpu.matmul %get3A_1, %get3A_4, %dot_general3A {dimension_numbers = #tpu.dot_dimension_numbers<[1], [0], [0], [1], [0, 0, 1, 1], [], []>, transpose_lhs_hint = false} : vector<256x384xf32>, vector<384x128xf32>, vector<256x128xf32> -> vector<256x128xf32>
    %slice3A = vector.extract_strided_slice %dot_general3A_5 {offsets = [0, 0], sizes = [256, 8], strides = [1, 1]} : vector<256x128xf32> to vector<256x8xf32>
    %slice3A_6 = vector.extract_strided_slice %dot_general3A_5 {offsets = [0, 8], sizes = [256, 8], strides = [1, 1]} : vector<256x128xf32> to vector<256x8xf32>
    %slice3A_7 = vector.extract_strided_slice %dot_general3A_5 {offsets = [0, 16], sizes = [256, 8], strides = [1, 1]} : vector<256x128xf32> to vector<256x8xf32>
    %slice3A_8 = vector.extract_strided_slice %dot_general3A_5 {offsets = [0, 24], sizes = [256, 8], strides = [1, 1]} : vector<256x128xf32> to vector<256x8xf32>
    %slice3A_9 = vector.extract_strided_slice %dot_general3A_5 {offsets = [0, 32], sizes = [256, 1], strides = [1, 1]} : vector<256x128xf32> to vector<256x1xf32>
    %max3A = arith.constant 1.000000e-03 : f32
    %max3A_10 = vector.broadcast %max3A : f32 to vector<256x1xf32>
    %max3A_11 = arith.maximumf %slice3A_9, %max3A_10 : vector<256x1xf32>
    %slice3A_12 = vector.extract_strided_slice %dot_general3A_5 {offsets = [0, 33], sizes = [256, 1], strides = [1, 1]} : vector<256x128xf32> to vector<256x1xf32>
    %iota3A = tpu.iota {dimensions = array<i32: 1>} : vector<256x128xi32>
    %convert_element_type3A = arith.sitofp %iota3A : vector<256x128xi32> to vector<256x128xf32>
    %div3A = arith.constant -2.87823117E-4 : f32
    %div3A_13 = vector.broadcast %div3A : f32 to vector<256x1xf32>
    %div3A_14 = arith.divf %div3A_13, %max3A_11 : vector<256x1xf32>
    %mul3A = vector.broadcast %div3A_14 : vector<256x1xf32> to vector<256x128xf32>
    %mul3A_15 = arith.mulf %mul3A, %convert_element_type3A : vector<256x128xf32>
    %mul3A_16 = arith.constant 1.44269502 : f32
    %mul3A_17 = vector.broadcast %mul3A_16 : f32 to vector<256x128xf32>
    %mul3A_18 = arith.mulf %mul3A_15, %mul3A_17 : vector<256x128xf32>
    %add3A = arith.constant 5.000000e-01 : f32
    %add3A_19 = vector.broadcast %add3A : f32 to vector<256x128xf32>
    %add3A_20 = arith.addf %mul3A_18, %add3A_19 : vector<256x128xf32>
    %floor3A = math.floor %add3A_20 : vector<256x128xf32>
    %sub3A = arith.subf %mul3A_18, %floor3A : vector<256x128xf32>
    %mul3A_21 = arith.constant 0.00133953406 : f32
    %mul3A_22 = vector.broadcast %mul3A_21 : f32 to vector<256x128xf32>
    %mul3A_23 = arith.mulf %sub3A, %mul3A_22 : vector<256x128xf32>
    %add3A_24 = arith.constant 0.00967081543 : f32
    %add3A_25 = vector.broadcast %add3A_24 : f32 to vector<256x128xf32>
    %add3A_26 = arith.addf %add3A_25, %mul3A_23 : vector<256x128xf32>
    %mul3A_27 = arith.mulf %sub3A, %add3A_26 : vector<256x128xf32>
    %add3A_28 = arith.constant 0.0555034056 : f32
    %add3A_29 = vector.broadcast %add3A_28 : f32 to vector<256x128xf32>
    %add3A_30 = arith.addf %add3A_29, %mul3A_27 : vector<256x128xf32>
    %mul3A_31 = arith.mulf %sub3A, %add3A_30 : vector<256x128xf32>
    %add3A_32 = arith.constant 0.240222111 : f32
    %add3A_33 = vector.broadcast %add3A_32 : f32 to vector<256x128xf32>
    %add3A_34 = arith.addf %add3A_33, %mul3A_31 : vector<256x128xf32>
    %mul3A_35 = arith.mulf %sub3A, %add3A_34 : vector<256x128xf32>
    %add3A_36 = arith.constant 0.693147182 : f32
    %add3A_37 = vector.broadcast %add3A_36 : f32 to vector<256x128xf32>
    %add3A_38 = arith.addf %add3A_37, %mul3A_35 : vector<256x128xf32>
    %mul3A_39 = arith.mulf %sub3A, %add3A_38 : vector<256x128xf32>
    %add3A_40 = arith.constant 1.000000e+00 : f32
    %add3A_41 = vector.broadcast %add3A_40 : f32 to vector<256x128xf32>
    %add3A_42 = arith.addf %add3A_41, %mul3A_39 : vector<256x128xf32>
    %convert_element_type3A_43 = arith.fptosi %floor3A : vector<256x128xf32> to vector<256x128xi32>
    %jit3A = arith.constant -126 : i32
    %jit3A_44 = arith.constant 127 : i32
    %max3A_45 = vector.broadcast %jit3A : i32 to vector<256x128xi32>
    %max3A_46 = arith.maxsi %max3A_45, %convert_element_type3A_43 : vector<256x128xi32>
    %min3A = vector.broadcast %jit3A_44 : i32 to vector<256x128xi32>
    %min3A_47 = arith.minsi %min3A, %max3A_46 : vector<256x128xi32>
    %add3A_48 = arith.constant 127 : i32
    %add3A_49 = vector.broadcast %add3A_48 : i32 to vector<256x128xi32>
    %add3A_50 = arith.addi %min3A_47, %add3A_49 : vector<256x128xi32>
    %shift_left3A = arith.constant 23 : i32
    %shift_left3A_51 = vector.broadcast %shift_left3A : i32 to vector<256x128xi32>
    %shift_left3A_52 = arith.shli %add3A_50, %shift_left3A_51 : vector<256x128xi32>
    %bitcast_convert_type3A = tpu.bitcast %shift_left3A_52 : vector<256x128xi32> -> vector<256x128xf32>
    %lt3A = arith.constant -8.700000e+01 : f32
    %lt3A_53 = vector.broadcast %lt3A : f32 to vector<256x128xf32>
    %lt3A_54 = arith.cmpf olt, %mul3A_15, %lt3A_53 : vector<256x128xf32>
    %mul3A_55 = arith.mulf %bitcast_convert_type3A, %add3A_42 : vector<256x128xf32>
    %jit3A_56 = arith.constant 0.000000e+00 : f32
    %broadcast_in_dim3A = vector.broadcast %jit3A_56 : f32 to vector<256x128xf32>
    %select_n3A = arith.select %lt3A_54, %broadcast_in_dim3A, %mul3A_55 : vector<256x128xi1>, vector<256x128xf32>
    %slice3A_57 = vector.extract_strided_slice %select_n3A {offsets = [0, 64], sizes = [256, 1], strides = [1, 1]} : vector<256x128xf32> to vector<256x1xf32>
    %slice3A_58 = vector.extract_strided_slice %select_n3A {offsets = [0, 64], sizes = [256, 1], strides = [1, 1]} : vector<256x128xf32> to vector<256x1xf32>
    %mul3A_59 = arith.mulf %slice3A_57, %slice3A_58 : vector<256x1xf32>
    %neg3A = arith.constant 0.000000e+00 : f32
    %neg3A_60 = vector.broadcast %neg3A : f32 to vector<256x1xf32>
    %neg3A_61 = arith.subf %neg3A_60, %slice3A_12 : vector<256x1xf32>
    %mul3A_62 = arith.constant 1.44269502 : f32
    %mul3A_63 = vector.broadcast %mul3A_62 : f32 to vector<256x1xf32>
    %mul3A_64 = arith.mulf %neg3A_61, %mul3A_63 : vector<256x1xf32>
    %add3A_65 = arith.constant 5.000000e-01 : f32
    %add3A_66 = vector.broadcast %add3A_65 : f32 to vector<256x1xf32>
    %add3A_67 = arith.addf %mul3A_64, %add3A_66 : vector<256x1xf32>
    %floor3A_68 = math.floor %add3A_67 : vector<256x1xf32>
    %sub3A_69 = arith.subf %mul3A_64, %floor3A_68 : vector<256x1xf32>
    %mul3A_70 = arith.constant 0.00133953406 : f32
    %mul3A_71 = vector.broadcast %mul3A_70 : f32 to vector<256x1xf32>
    %mul3A_72 = arith.mulf %sub3A_69, %mul3A_71 : vector<256x1xf32>
    %add3A_73 = arith.constant 0.00967081543 : f32
    %add3A_74 = vector.broadcast %add3A_73 : f32 to vector<256x1xf32>
    %add3A_75 = arith.addf %add3A_74, %mul3A_72 : vector<256x1xf32>
    %mul3A_76 = arith.mulf %sub3A_69, %add3A_75 : vector<256x1xf32>
    %add3A_77 = arith.constant 0.0555034056 : f32
    %add3A_78 = vector.broadcast %add3A_77 : f32 to vector<256x1xf32>
    %add3A_79 = arith.addf %add3A_78, %mul3A_76 : vector<256x1xf32>
    %mul3A_80 = arith.mulf %sub3A_69, %add3A_79 : vector<256x1xf32>
    %add3A_81 = arith.constant 0.240222111 : f32
    %add3A_82 = vector.broadcast %add3A_81 : f32 to vector<256x1xf32>
    %add3A_83 = arith.addf %add3A_82, %mul3A_80 : vector<256x1xf32>
    %mul3A_84 = arith.mulf %sub3A_69, %add3A_83 : vector<256x1xf32>
    %add3A_85 = arith.constant 0.693147182 : f32
    %add3A_86 = vector.broadcast %add3A_85 : f32 to vector<256x1xf32>
    %add3A_87 = arith.addf %add3A_86, %mul3A_84 : vector<256x1xf32>
    %mul3A_88 = arith.mulf %sub3A_69, %add3A_87 : vector<256x1xf32>
    %add3A_89 = arith.constant 1.000000e+00 : f32
    %add3A_90 = vector.broadcast %add3A_89 : f32 to vector<256x1xf32>
    %add3A_91 = arith.addf %add3A_90, %mul3A_88 : vector<256x1xf32>
    %convert_element_type3A_92 = arith.fptosi %floor3A_68 : vector<256x1xf32> to vector<256x1xi32>
    %jit3A_93 = arith.constant -126 : i32
    %jit3A_94 = arith.constant 127 : i32
    %max3A_95 = vector.broadcast %jit3A_93 : i32 to vector<256x1xi32>
    %max3A_96 = arith.maxsi %max3A_95, %convert_element_type3A_92 : vector<256x1xi32>
    %min3A_97 = vector.broadcast %jit3A_94 : i32 to vector<256x1xi32>
    %min3A_98 = arith.minsi %min3A_97, %max3A_96 : vector<256x1xi32>
    %add3A_99 = arith.constant 127 : i32
    %add3A_100 = vector.broadcast %add3A_99 : i32 to vector<256x1xi32>
    %add3A_101 = arith.addi %min3A_98, %add3A_100 : vector<256x1xi32>
    %shift_left3A_102 = arith.constant 23 : i32
    %shift_left3A_103 = vector.broadcast %shift_left3A_102 : i32 to vector<256x1xi32>
    %shift_left3A_104 = arith.shli %add3A_101, %shift_left3A_103 : vector<256x1xi32>
    %bitcast_convert_type3A_105 = tpu.bitcast %shift_left3A_104 : vector<256x1xi32> -> vector<256x1xf32>
    %lt3A_106 = arith.constant -8.700000e+01 : f32
    %lt3A_107 = vector.broadcast %lt3A_106 : f32 to vector<256x1xf32>
    %lt3A_108 = arith.cmpf olt, %neg3A_61, %lt3A_107 : vector<256x1xf32>
    %mul3A_109 = arith.mulf %bitcast_convert_type3A_105, %add3A_91 : vector<256x1xf32>
    %jit3A_110 = arith.constant 0.000000e+00 : f32
    %broadcast_in_dim3A_111 = vector.broadcast %jit3A_110 : f32 to vector<256x1xf32>
    %select_n3A_112 = arith.select %lt3A_108, %broadcast_in_dim3A_111, %mul3A_109 : vector<256x1xi1>, vector<256x1xf32>
    %add3A_113 = arith.constant 1.000000e+00 : f32
    %add3A_114 = vector.broadcast %add3A_113 : f32 to vector<256x1xf32>
    %add3A_115 = arith.addf %add3A_114, %select_n3A_112 : vector<256x1xf32>
    %div3A_116 = arith.constant 1.000000e+00 : f32
    %div3A_117 = vector.broadcast %div3A_116 : f32 to vector<256x1xf32>
    %div3A_118 = arith.divf %div3A_117, %add3A_115 : vector<256x1xf32>
    %max3A_119 = arith.constant 0.000000e+00 : f32
    %max3A_120 = vector.broadcast %max3A_119 : f32 to vector<256x8xf32>
    %max3A_121 = arith.maximumf %slice3A_8, %max3A_120 : vector<256x8xf32>
    %abs3A = math.absf %slice3A_8 : vector<256x8xf32>
    %neg3A_122 = arith.constant 0.000000e+00 : f32
    %neg3A_123 = vector.broadcast %neg3A_122 : f32 to vector<256x8xf32>
    %neg3A_124 = arith.subf %neg3A_123, %abs3A : vector<256x8xf32>
    %mul3A_125 = arith.constant 1.44269502 : f32
    %mul3A_126 = vector.broadcast %mul3A_125 : f32 to vector<256x8xf32>
    %mul3A_127 = arith.mulf %neg3A_124, %mul3A_126 : vector<256x8xf32>
    %add3A_128 = arith.constant 5.000000e-01 : f32
    %add3A_129 = vector.broadcast %add3A_128 : f32 to vector<256x8xf32>
    %add3A_130 = arith.addf %mul3A_127, %add3A_129 : vector<256x8xf32>
    %floor3A_131 = math.floor %add3A_130 : vector<256x8xf32>
    %sub3A_132 = arith.subf %mul3A_127, %floor3A_131 : vector<256x8xf32>
    %mul3A_133 = arith.constant 0.00133953406 : f32
    %mul3A_134 = vector.broadcast %mul3A_133 : f32 to vector<256x8xf32>
    %mul3A_135 = arith.mulf %sub3A_132, %mul3A_134 : vector<256x8xf32>
    %add3A_136 = arith.constant 0.00967081543 : f32
    %add3A_137 = vector.broadcast %add3A_136 : f32 to vector<256x8xf32>
    %add3A_138 = arith.addf %add3A_137, %mul3A_135 : vector<256x8xf32>
    %mul3A_139 = arith.mulf %sub3A_132, %add3A_138 : vector<256x8xf32>
    %add3A_140 = arith.constant 0.0555034056 : f32
    %add3A_141 = vector.broadcast %add3A_140 : f32 to vector<256x8xf32>
    %add3A_142 = arith.addf %add3A_141, %mul3A_139 : vector<256x8xf32>
    %mul3A_143 = arith.mulf %sub3A_132, %add3A_142 : vector<256x8xf32>
    %add3A_144 = arith.constant 0.240222111 : f32
    %add3A_145 = vector.broadcast %add3A_144 : f32 to vector<256x8xf32>
    %add3A_146 = arith.addf %add3A_145, %mul3A_143 : vector<256x8xf32>
    %mul3A_147 = arith.mulf %sub3A_132, %add3A_146 : vector<256x8xf32>
    %add3A_148 = arith.constant 0.693147182 : f32
    %add3A_149 = vector.broadcast %add3A_148 : f32 to vector<256x8xf32>
    %add3A_150 = arith.addf %add3A_149, %mul3A_147 : vector<256x8xf32>
    %mul3A_151 = arith.mulf %sub3A_132, %add3A_150 : vector<256x8xf32>
    %add3A_152 = arith.constant 1.000000e+00 : f32
    %add3A_153 = vector.broadcast %add3A_152 : f32 to vector<256x8xf32>
    %add3A_154 = arith.addf %add3A_153, %mul3A_151 : vector<256x8xf32>
    %convert_element_type3A_155 = arith.fptosi %floor3A_131 : vector<256x8xf32> to vector<256x8xi32>
    %jit3A_156 = arith.constant -126 : i32
    %jit3A_157 = arith.constant 127 : i32
    %max3A_158 = vector.broadcast %jit3A_156 : i32 to vector<256x8xi32>
    %max3A_159 = arith.maxsi %max3A_158, %convert_element_type3A_155 : vector<256x8xi32>
    %min3A_160 = vector.broadcast %jit3A_157 : i32 to vector<256x8xi32>
    %min3A_161 = arith.minsi %min3A_160, %max3A_159 : vector<256x8xi32>
    %add3A_162 = arith.constant 127 : i32
    %add3A_163 = vector.broadcast %add3A_162 : i32 to vector<256x8xi32>
    %add3A_164 = arith.addi %min3A_161, %add3A_163 : vector<256x8xi32>
    %shift_left3A_165 = arith.constant 23 : i32
    %shift_left3A_166 = vector.broadcast %shift_left3A_165 : i32 to vector<256x8xi32>
    %shift_left3A_167 = arith.shli %add3A_164, %shift_left3A_166 : vector<256x8xi32>
    %bitcast_convert_type3A_168 = tpu.bitcast %shift_left3A_167 : vector<256x8xi32> -> vector<256x8xf32>
    %lt3A_169 = arith.constant -8.700000e+01 : f32
    %lt3A_170 = vector.broadcast %lt3A_169 : f32 to vector<256x8xf32>
    %lt3A_171 = arith.cmpf olt, %neg3A_124, %lt3A_170 : vector<256x8xf32>
    %mul3A_172 = arith.mulf %bitcast_convert_type3A_168, %add3A_154 : vector<256x8xf32>
    %jit3A_173 = arith.constant 0.000000e+00 : f32
    %broadcast_in_dim3A_174 = vector.broadcast %jit3A_173 : f32 to vector<256x8xf32>
    %select_n3A_175 = arith.select %lt3A_171, %broadcast_in_dim3A_174, %mul3A_172 : vector<256x8xi1>, vector<256x8xf32>
    %log1p3A = math.log1p %select_n3A_175 : vector<256x8xf32>
    %add3A_176 = arith.addf %max3A_121, %log1p3A : vector<256x8xf32>
    %mul3A_177 = arith.constant 4.000000e+02 : f32
    %mul3A_178 = vector.broadcast %mul3A_177 : f32 to vector<256x8xf32>
    %mul3A_179 = arith.mulf %mul3A_178, %add3A_176 : vector<256x8xf32>
    %add3A_180 = arith.constant 5.000000e+01 : f32
    %add3A_181 = vector.broadcast %add3A_180 : f32 to vector<256x8xf32>
    %add3A_182 = arith.addf %add3A_181, %mul3A_179 : vector<256x8xf32>
    %mul3A_183 = arith.constant 2.61799374E-4 : f32
    %mul3A_184 = vector.broadcast %mul3A_183 : f32 to vector<256x8xf32>
    %mul3A_185 = arith.mulf %mul3A_184, %add3A_182 : vector<256x8xf32>
    %mul3A_186 = arith.mulf %slice3A, %slice3A_6 : vector<256x8xf32>
    %tanh3A = math.tanh %slice3A_7 : vector<256x8xf32>
    %mul3A_187 = arith.mulf %mul3A_186, %tanh3A : vector<256x8xf32>
    %mul3A_188 = arith.constant 1.280000e+02 : f32
    %mul3A_189 = vector.broadcast %mul3A_188 : f32 to vector<256x8xf32>
    %mul3A_190 = arith.mulf %mul3A_185, %mul3A_189 : vector<256x8xf32>
    %mul3A_191 = arith.constant 0.318309873 : f32
    %mul3A_192 = vector.broadcast %mul3A_191 : f32 to vector<256x8xf32>
    %mul3A_193 = arith.mulf %mul3A_190, %mul3A_192 : vector<256x8xf32>
    %add3A_194 = arith.constant 5.000000e-01 : f32
    %add3A_195 = vector.broadcast %add3A_194 : f32 to vector<256x8xf32>
    %add3A_196 = arith.addf %mul3A_193, %add3A_195 : vector<256x8xf32>
    %floor3A_197 = math.floor %add3A_196 : vector<256x8xf32>
    %mul3A_198 = arith.constant 3.140625 : f32
    %mul3A_199 = vector.broadcast %mul3A_198 : f32 to vector<256x8xf32>
    %mul3A_200 = arith.mulf %floor3A_197, %mul3A_199 : vector<256x8xf32>
    %sub3A_201 = arith.subf %mul3A_190, %mul3A_200 : vector<256x8xf32>
    %mul3A_202 = arith.constant 9.67653584E-4 : f32
    %mul3A_203 = vector.broadcast %mul3A_202 : f32 to vector<256x8xf32>
    %mul3A_204 = arith.mulf %floor3A_197, %mul3A_203 : vector<256x8xf32>
    %sub3A_205 = arith.subf %sub3A_201, %mul3A_204 : vector<256x8xf32>
    %convert_element_type3A_206 = arith.fptosi %floor3A_197 : vector<256x8xf32> to vector<256x8xi32>
    %and3A = arith.constant 1 : i32
    %and3A_207 = vector.broadcast %and3A : i32 to vector<256x8xi32>
    %and3A_208 = arith.andi %convert_element_type3A_206, %and3A_207 : vector<256x8xi32>
    %eq3A = arith.constant 0 : i32
    %eq3A_209 = vector.broadcast %eq3A : i32 to vector<256x8xi32>
    %eq3A_210 = arith.cmpi eq, %and3A_208, %eq3A_209 : vector<256x8xi32>
    %jit3A_211 = arith.constant 1.000000e+00 : f32
    %jit3A_212 = arith.constant -1.000000e+00 : f32
    %broadcast_in_dim3A_213 = vector.broadcast %jit3A_211 : f32 to vector<256x8xf32>
    %broadcast_in_dim3A_214 = vector.broadcast %jit3A_212 : f32 to vector<256x8xf32>
    %select_n3A_215 = arith.select %eq3A_210, %broadcast_in_dim3A_213, %broadcast_in_dim3A_214 : vector<256x8xi1>, vector<256x8xf32>
    %mul3A_216 = arith.mulf %sub3A_205, %sub3A_205 : vector<256x8xf32>
    %mul3A_217 = arith.constant 2.58393766E-6 : f32
    %mul3A_218 = vector.broadcast %mul3A_217 : f32 to vector<256x8xf32>
    %mul3A_219 = arith.mulf %mul3A_216, %mul3A_218 : vector<256x8xf32>
    %add3A_220 = arith.constant -1.97975969E-4 : f32
    %add3A_221 = vector.broadcast %add3A_220 : f32 to vector<256x8xf32>
    %add3A_222 = arith.addf %add3A_221, %mul3A_219 : vector<256x8xf32>
    %mul3A_223 = arith.mulf %mul3A_216, %add3A_222 : vector<256x8xf32>
    %add3A_224 = arith.constant 0.00833284482 : f32
    %add3A_225 = vector.broadcast %add3A_224 : f32 to vector<256x8xf32>
    %add3A_226 = arith.addf %add3A_225, %mul3A_223 : vector<256x8xf32>
    %mul3A_227 = arith.mulf %mul3A_216, %add3A_226 : vector<256x8xf32>
    %add3A_228 = arith.constant -0.166666448 : f32
    %add3A_229 = vector.broadcast %add3A_228 : f32 to vector<256x8xf32>
    %add3A_230 = arith.addf %add3A_229, %mul3A_227 : vector<256x8xf32>
    %mul3A_231 = arith.mulf %mul3A_216, %add3A_230 : vector<256x8xf32>
    %add3A_232 = arith.constant 1.000000e+00 : f32
    %add3A_233 = vector.broadcast %add3A_232 : f32 to vector<256x8xf32>
    %add3A_234 = arith.addf %add3A_233, %mul3A_231 : vector<256x8xf32>
    %mul3A_235 = arith.mulf %sub3A_205, %add3A_234 : vector<256x8xf32>
    %mul3A_236 = arith.constant -2.59917783E-7 : f32
    %mul3A_237 = vector.broadcast %mul3A_236 : f32 to vector<256x8xf32>
    %mul3A_238 = arith.mulf %mul3A_216, %mul3A_237 : vector<256x8xf32>
    %add3A_239 = arith.constant 2.47567768E-5 : f32
    %add3A_240 = vector.broadcast %add3A_239 : f32 to vector<256x8xf32>
    %add3A_241 = arith.addf %add3A_240, %mul3A_238 : vector<256x8xf32>
    %mul3A_242 = arith.mulf %mul3A_216, %add3A_241 : vector<256x8xf32>
    %add3A_243 = arith.constant -0.00138882955 : f32
    %add3A_244 = vector.broadcast %add3A_243 : f32 to vector<256x8xf32>
    %add3A_245 = arith.addf %add3A_244, %mul3A_242 : vector<256x8xf32>
    %mul3A_246 = arith.mulf %mul3A_216, %add3A_245 : vector<256x8xf32>
    %add3A_247 = arith.constant 0.0416666307 : f32
    %add3A_248 = vector.broadcast %add3A_247 : f32 to vector<256x8xf32>
    %add3A_249 = arith.addf %add3A_248, %mul3A_246 : vector<256x8xf32>
    %mul3A_250 = arith.mulf %mul3A_216, %add3A_249 : vector<256x8xf32>
    %add3A_251 = arith.constant -5.000000e-01 : f32
    %add3A_252 = vector.broadcast %add3A_251 : f32 to vector<256x8xf32>
    %add3A_253 = arith.addf %add3A_252, %mul3A_250 : vector<256x8xf32>
    %mul3A_254 = arith.mulf %mul3A_216, %add3A_253 : vector<256x8xf32>
    %add3A_255 = arith.constant 1.000000e+00 : f32
    %add3A_256 = vector.broadcast %add3A_255 : f32 to vector<256x8xf32>
    %add3A_257 = arith.addf %add3A_256, %mul3A_254 : vector<256x8xf32>
    %mul3A_258 = arith.mulf %select_n3A_215, %mul3A_235 : vector<256x8xf32>
    %mul3A_259 = arith.mulf %select_n3A_215, %add3A_257 : vector<256x8xf32>
    %slice3A_260 = vector.extract_strided_slice %mul3A_185 {offsets = [0, 0], sizes = [256, 1], strides = [1, 1]} : vector<256x8xf32> to vector<256x1xf32>
    %slice3A_261 = vector.extract_strided_slice %mul3A_187 {offsets = [0, 0], sizes = [256, 1], strides = [1, 1]} : vector<256x8xf32> to vector<256x1xf32>
    %mul3A_262 = vector.broadcast %slice3A_260 : vector<256x1xf32> to vector<256x128xf32>
    %mul3A_263 = arith.mulf %mul3A_262, %convert_element_type3A : vector<256x128xf32>
    %mul3A_264 = arith.constant 0.318309873 : f32
    %mul3A_265 = vector.broadcast %mul3A_264 : f32 to vector<256x128xf32>
    %mul3A_266 = arith.mulf %mul3A_263, %mul3A_265 : vector<256x128xf32>
    %add3A_267 = arith.constant 5.000000e-01 : f32
    %add3A_268 = vector.broadcast %add3A_267 : f32 to vector<256x128xf32>
    %add3A_269 = arith.addf %mul3A_266, %add3A_268 : vector<256x128xf32>
    %floor3A_270 = math.floor %add3A_269 : vector<256x128xf32>
    %mul3A_271 = arith.constant 3.140625 : f32
    %mul3A_272 = vector.broadcast %mul3A_271 : f32 to vector<256x128xf32>
    %mul3A_273 = arith.mulf %floor3A_270, %mul3A_272 : vector<256x128xf32>
    %sub3A_274 = arith.subf %mul3A_263, %mul3A_273 : vector<256x128xf32>
    %mul3A_275 = arith.constant 9.67653584E-4 : f32
    %mul3A_276 = vector.broadcast %mul3A_275 : f32 to vector<256x128xf32>
    %mul3A_277 = arith.mulf %floor3A_270, %mul3A_276 : vector<256x128xf32>
    %sub3A_278 = arith.subf %sub3A_274, %mul3A_277 : vector<256x128xf32>
    %convert_element_type3A_279 = arith.fptosi %floor3A_270 : vector<256x128xf32> to vector<256x128xi32>
    %and3A_280 = arith.constant 1 : i32
    %and3A_281 = vector.broadcast %and3A_280 : i32 to vector<256x128xi32>
    %and3A_282 = arith.andi %convert_element_type3A_279, %and3A_281 : vector<256x128xi32>
    %eq3A_283 = arith.constant 0 : i32
    %eq3A_284 = vector.broadcast %eq3A_283 : i32 to vector<256x128xi32>
    %eq3A_285 = arith.cmpi eq, %and3A_282, %eq3A_284 : vector<256x128xi32>
    %jit3A_286 = arith.constant 1.000000e+00 : f32
    %jit3A_287 = arith.constant -1.000000e+00 : f32
    %broadcast_in_dim3A_288 = vector.broadcast %jit3A_286 : f32 to vector<256x128xf32>
    %broadcast_in_dim3A_289 = vector.broadcast %jit3A_287 : f32 to vector<256x128xf32>
    %select_n3A_290 = arith.select %eq3A_285, %broadcast_in_dim3A_288, %broadcast_in_dim3A_289 : vector<256x128xi1>, vector<256x128xf32>
    %mul3A_291 = arith.mulf %sub3A_278, %sub3A_278 : vector<256x128xf32>
    %mul3A_292 = arith.constant 2.58393766E-6 : f32
    %mul3A_293 = vector.broadcast %mul3A_292 : f32 to vector<256x128xf32>
    %mul3A_294 = arith.mulf %mul3A_291, %mul3A_293 : vector<256x128xf32>
    %add3A_295 = arith.constant -1.97975969E-4 : f32
    %add3A_296 = vector.broadcast %add3A_295 : f32 to vector<256x128xf32>
    %add3A_297 = arith.addf %add3A_296, %mul3A_294 : vector<256x128xf32>
    %mul3A_298 = arith.mulf %mul3A_291, %add3A_297 : vector<256x128xf32>
    %add3A_299 = arith.constant 0.00833284482 : f32
    %add3A_300 = vector.broadcast %add3A_299 : f32 to vector<256x128xf32>
    %add3A_301 = arith.addf %add3A_300, %mul3A_298 : vector<256x128xf32>
    %mul3A_302 = arith.mulf %mul3A_291, %add3A_301 : vector<256x128xf32>
    %add3A_303 = arith.constant -0.166666448 : f32
    %add3A_304 = vector.broadcast %add3A_303 : f32 to vector<256x128xf32>
    %add3A_305 = arith.addf %add3A_304, %mul3A_302 : vector<256x128xf32>
    %mul3A_306 = arith.mulf %mul3A_291, %add3A_305 : vector<256x128xf32>
    %add3A_307 = arith.constant 1.000000e+00 : f32
    %add3A_308 = vector.broadcast %add3A_307 : f32 to vector<256x128xf32>
    %add3A_309 = arith.addf %add3A_308, %mul3A_306 : vector<256x128xf32>
    %mul3A_310 = arith.mulf %sub3A_278, %add3A_309 : vector<256x128xf32>
    %mul3A_311 = arith.constant -2.59917783E-7 : f32
    %mul3A_312 = vector.broadcast %mul3A_311 : f32 to vector<256x128xf32>
    %mul3A_313 = arith.mulf %mul3A_291, %mul3A_312 : vector<256x128xf32>
    %add3A_314 = arith.constant 2.47567768E-5 : f32
    %add3A_315 = vector.broadcast %add3A_314 : f32 to vector<256x128xf32>
    %add3A_316 = arith.addf %add3A_315, %mul3A_313 : vector<256x128xf32>
    %mul3A_317 = arith.mulf %mul3A_291, %add3A_316 : vector<256x128xf32>
    %add3A_318 = arith.constant -0.00138882955 : f32
    %add3A_319 = vector.broadcast %add3A_318 : f32 to vector<256x128xf32>
    %add3A_320 = arith.addf %add3A_319, %mul3A_317 : vector<256x128xf32>
    %mul3A_321 = arith.mulf %mul3A_291, %add3A_320 : vector<256x128xf32>
    %add3A_322 = arith.constant 0.0416666307 : f32
    %add3A_323 = vector.broadcast %add3A_322 : f32 to vector<256x128xf32>
    %add3A_324 = arith.addf %add3A_323, %mul3A_321 : vector<256x128xf32>
    %mul3A_325 = arith.mulf %mul3A_291, %add3A_324 : vector<256x128xf32>
    %add3A_326 = arith.constant -5.000000e-01 : f32
    %add3A_327 = vector.broadcast %add3A_326 : f32 to vector<256x128xf32>
    %add3A_328 = arith.addf %add3A_327, %mul3A_325 : vector<256x128xf32>
    %mul3A_329 = arith.mulf %mul3A_291, %add3A_328 : vector<256x128xf32>
    %add3A_330 = arith.constant 1.000000e+00 : f32
    %add3A_331 = vector.broadcast %add3A_330 : f32 to vector<256x128xf32>
    %add3A_332 = arith.addf %add3A_331, %mul3A_329 : vector<256x128xf32>
    %mul3A_333 = arith.mulf %select_n3A_290, %mul3A_310 : vector<256x128xf32>
    %mul3A_334 = arith.mulf %select_n3A_290, %add3A_332 : vector<256x128xf32>
    %mul3A_335 = vector.broadcast %slice3A_261 : vector<256x1xf32> to vector<256x128xf32>
    %mul3A_336 = arith.mulf %mul3A_335, %mul3A_333 : vector<256x128xf32>
    %convert_element_type3A_337 = arith.truncf %mul3A_336 : vector<256x128xf32> to vector<256x128xbf16>
    %mul3A_338 = vector.broadcast %slice3A_261 : vector<256x1xf32> to vector<256x128xf32>
    %mul3A_339 = arith.mulf %mul3A_338, %mul3A_334 : vector<256x128xf32>
    %convert_element_type3A_340 = arith.truncf %mul3A_339 : vector<256x128xf32> to vector<256x128xbf16>
    %slice3A_341 = vector.extract_strided_slice %mul3A_185 {offsets = [0, 1], sizes = [256, 1], strides = [1, 1]} : vector<256x8xf32> to vector<256x1xf32>
    %slice3A_342 = vector.extract_strided_slice %mul3A_187 {offsets = [0, 1], sizes = [256, 1], strides = [1, 1]} : vector<256x8xf32> to vector<256x1xf32>
    %mul3A_343 = vector.broadcast %slice3A_341 : vector<256x1xf32> to vector<256x128xf32>
    %mul3A_344 = arith.mulf %mul3A_343, %convert_element_type3A : vector<256x128xf32>
    %mul3A_345 = arith.constant 0.318309873 : f32
    %mul3A_346 = vector.broadcast %mul3A_345 : f32 to vector<256x128xf32>
    %mul3A_347 = arith.mulf %mul3A_344, %mul3A_346 : vector<256x128xf32>
    %add3A_348 = arith.constant 5.000000e-01 : f32
    %add3A_349 = vector.broadcast %add3A_348 : f32 to vector<256x128xf32>
    %add3A_350 = arith.addf %mul3A_347, %add3A_349 : vector<256x128xf32>
    %floor3A_351 = math.floor %add3A_350 : vector<256x128xf32>
    %mul3A_352 = arith.constant 3.140625 : f32
    %mul3A_353 = vector.broadcast %mul3A_352 : f32 to vector<256x128xf32>
    %mul3A_354 = arith.mulf %floor3A_351, %mul3A_353 : vector<256x128xf32>
    %sub3A_355 = arith.subf %mul3A_344, %mul3A_354 : vector<256x128xf32>
    %mul3A_356 = arith.constant 9.67653584E-4 : f32
    %mul3A_357 = vector.broadcast %mul3A_356 : f32 to vector<256x128xf32>
    %mul3A_358 = arith.mulf %floor3A_351, %mul3A_357 : vector<256x128xf32>
    %sub3A_359 = arith.subf %sub3A_355, %mul3A_358 : vector<256x128xf32>
    %convert_element_type3A_360 = arith.fptosi %floor3A_351 : vector<256x128xf32> to vector<256x128xi32>
    %and3A_361 = arith.constant 1 : i32
    %and3A_362 = vector.broadcast %and3A_361 : i32 to vector<256x128xi32>
    %and3A_363 = arith.andi %convert_element_type3A_360, %and3A_362 : vector<256x128xi32>
    %eq3A_364 = arith.constant 0 : i32
    %eq3A_365 = vector.broadcast %eq3A_364 : i32 to vector<256x128xi32>
    %eq3A_366 = arith.cmpi eq, %and3A_363, %eq3A_365 : vector<256x128xi32>
    %jit3A_367 = arith.constant 1.000000e+00 : f32
    %jit3A_368 = arith.constant -1.000000e+00 : f32
    %broadcast_in_dim3A_369 = vector.broadcast %jit3A_367 : f32 to vector<256x128xf32>
    %broadcast_in_dim3A_370 = vector.broadcast %jit3A_368 : f32 to vector<256x128xf32>
    %select_n3A_371 = arith.select %eq3A_366, %broadcast_in_dim3A_369, %broadcast_in_dim3A_370 : vector<256x128xi1>, vector<256x128xf32>
    %mul3A_372 = arith.mulf %sub3A_359, %sub3A_359 : vector<256x128xf32>
    %mul3A_373 = arith.constant 2.58393766E-6 : f32
    %mul3A_374 = vector.broadcast %mul3A_373 : f32 to vector<256x128xf32>
    %mul3A_375 = arith.mulf %mul3A_372, %mul3A_374 : vector<256x128xf32>
    %add3A_376 = arith.constant -1.97975969E-4 : f32
    %add3A_377 = vector.broadcast %add3A_376 : f32 to vector<256x128xf32>
    %add3A_378 = arith.addf %add3A_377, %mul3A_375 : vector<256x128xf32>
    %mul3A_379 = arith.mulf %mul3A_372, %add3A_378 : vector<256x128xf32>
    %add3A_380 = arith.constant 0.00833284482 : f32
    %add3A_381 = vector.broadcast %add3A_380 : f32 to vector<256x128xf32>
    %add3A_382 = arith.addf %add3A_381, %mul3A_379 : vector<256x128xf32>
    %mul3A_383 = arith.mulf %mul3A_372, %add3A_382 : vector<256x128xf32>
    %add3A_384 = arith.constant -0.166666448 : f32
    %add3A_385 = vector.broadcast %add3A_384 : f32 to vector<256x128xf32>
    %add3A_386 = arith.addf %add3A_385, %mul3A_383 : vector<256x128xf32>
    %mul3A_387 = arith.mulf %mul3A_372, %add3A_386 : vector<256x128xf32>
    %add3A_388 = arith.constant 1.000000e+00 : f32
    %add3A_389 = vector.broadcast %add3A_388 : f32 to vector<256x128xf32>
    %add3A_390 = arith.addf %add3A_389, %mul3A_387 : vector<256x128xf32>
    %mul3A_391 = arith.mulf %sub3A_359, %add3A_390 : vector<256x128xf32>
    %mul3A_392 = arith.constant -2.59917783E-7 : f32
    %mul3A_393 = vector.broadcast %mul3A_392 : f32 to vector<256x128xf32>
    %mul3A_394 = arith.mulf %mul3A_372, %mul3A_393 : vector<256x128xf32>
    %add3A_395 = arith.constant 2.47567768E-5 : f32
    %add3A_396 = vector.broadcast %add3A_395 : f32 to vector<256x128xf32>
    %add3A_397 = arith.addf %add3A_396, %mul3A_394 : vector<256x128xf32>
    %mul3A_398 = arith.mulf %mul3A_372, %add3A_397 : vector<256x128xf32>
    %add3A_399 = arith.constant -0.00138882955 : f32
    %add3A_400 = vector.broadcast %add3A_399 : f32 to vector<256x128xf32>
    %add3A_401 = arith.addf %add3A_400, %mul3A_398 : vector<256x128xf32>
    %mul3A_402 = arith.mulf %mul3A_372, %add3A_401 : vector<256x128xf32>
    %add3A_403 = arith.constant 0.0416666307 : f32
    %add3A_404 = vector.broadcast %add3A_403 : f32 to vector<256x128xf32>
    %add3A_405 = arith.addf %add3A_404, %mul3A_402 : vector<256x128xf32>
    %mul3A_406 = arith.mulf %mul3A_372, %add3A_405 : vector<256x128xf32>
    %add3A_407 = arith.constant -5.000000e-01 : f32
    %add3A_408 = vector.broadcast %add3A_407 : f32 to vector<256x128xf32>
    %add3A_409 = arith.addf %add3A_408, %mul3A_406 : vector<256x128xf32>
    %mul3A_410 = arith.mulf %mul3A_372, %add3A_409 : vector<256x128xf32>
    %add3A_411 = arith.constant 1.000000e+00 : f32
    %add3A_412 = vector.broadcast %add3A_411 : f32 to vector<256x128xf32>
    %add3A_413 = arith.addf %add3A_412, %mul3A_410 : vector<256x128xf32>
    %mul3A_414 = arith.mulf %select_n3A_371, %mul3A_391 : vector<256x128xf32>
    %mul3A_415 = arith.mulf %select_n3A_371, %add3A_413 : vector<256x128xf32>
    %mul3A_416 = vector.broadcast %slice3A_342 : vector<256x1xf32> to vector<256x128xf32>
    %mul3A_417 = arith.mulf %mul3A_416, %mul3A_414 : vector<256x128xf32>
    %convert_element_type3A_418 = arith.truncf %mul3A_417 : vector<256x128xf32> to vector<256x128xbf16>
    %mul3A_419 = vector.broadcast %slice3A_342 : vector<256x1xf32> to vector<256x128xf32>
    %mul3A_420 = arith.mulf %mul3A_419, %mul3A_415 : vector<256x128xf32>
    %convert_element_type3A_421 = arith.truncf %mul3A_420 : vector<256x128xf32> to vector<256x128xbf16>
    %slice3A_422 = vector.extract_strided_slice %mul3A_185 {offsets = [0, 2], sizes = [256, 1], strides = [1, 1]} : vector<256x8xf32> to vector<256x1xf32>
    %slice3A_423 = vector.extract_strided_slice %mul3A_187 {offsets = [0, 2], sizes = [256, 1], strides = [1, 1]} : vector<256x8xf32> to vector<256x1xf32>
    %mul3A_424 = vector.broadcast %slice3A_422 : vector<256x1xf32> to vector<256x128xf32>
    %mul3A_425 = arith.mulf %mul3A_424, %convert_element_type3A : vector<256x128xf32>
    %mul3A_426 = arith.constant 0.318309873 : f32
    %mul3A_427 = vector.broadcast %mul3A_426 : f32 to vector<256x128xf32>
    %mul3A_428 = arith.mulf %mul3A_425, %mul3A_427 : vector<256x128xf32>
    %add3A_429 = arith.constant 5.000000e-01 : f32
    %add3A_430 = vector.broadcast %add3A_429 : f32 to vector<256x128xf32>
    %add3A_431 = arith.addf %mul3A_428, %add3A_430 : vector<256x128xf32>
    %floor3A_432 = math.floor %add3A_431 : vector<256x128xf32>
    %mul3A_433 = arith.constant 3.140625 : f32
    %mul3A_434 = vector.broadcast %mul3A_433 : f32 to vector<256x128xf32>
    %mul3A_435 = arith.mulf %floor3A_432, %mul3A_434 : vector<256x128xf32>
    %sub3A_436 = arith.subf %mul3A_425, %mul3A_435 : vector<256x128xf32>
    %mul3A_437 = arith.constant 9.67653584E-4 : f32
    %mul3A_438 = vector.broadcast %mul3A_437 : f32 to vector<256x128xf32>
    %mul3A_439 = arith.mulf %floor3A_432, %mul3A_438 : vector<256x128xf32>
    %sub3A_440 = arith.subf %sub3A_436, %mul3A_439 : vector<256x128xf32>
    %convert_element_type3A_441 = arith.fptosi %floor3A_432 : vector<256x128xf32> to vector<256x128xi32>
    %and3A_442 = arith.constant 1 : i32
    %and3A_443 = vector.broadcast %and3A_442 : i32 to vector<256x128xi32>
    %and3A_444 = arith.andi %convert_element_type3A_441, %and3A_443 : vector<256x128xi32>
    %eq3A_445 = arith.constant 0 : i32
    %eq3A_446 = vector.broadcast %eq3A_445 : i32 to vector<256x128xi32>
    %eq3A_447 = arith.cmpi eq, %and3A_444, %eq3A_446 : vector<256x128xi32>
    %jit3A_448 = arith.constant 1.000000e+00 : f32
    %jit3A_449 = arith.constant -1.000000e+00 : f32
    %broadcast_in_dim3A_450 = vector.broadcast %jit3A_448 : f32 to vector<256x128xf32>
    %broadcast_in_dim3A_451 = vector.broadcast %jit3A_449 : f32 to vector<256x128xf32>
    %select_n3A_452 = arith.select %eq3A_447, %broadcast_in_dim3A_450, %broadcast_in_dim3A_451 : vector<256x128xi1>, vector<256x128xf32>
    %mul3A_453 = arith.mulf %sub3A_440, %sub3A_440 : vector<256x128xf32>
    %mul3A_454 = arith.constant 2.58393766E-6 : f32
    %mul3A_455 = vector.broadcast %mul3A_454 : f32 to vector<256x128xf32>
    %mul3A_456 = arith.mulf %mul3A_453, %mul3A_455 : vector<256x128xf32>
    %add3A_457 = arith.constant -1.97975969E-4 : f32
    %add3A_458 = vector.broadcast %add3A_457 : f32 to vector<256x128xf32>
    %add3A_459 = arith.addf %add3A_458, %mul3A_456 : vector<256x128xf32>
    %mul3A_460 = arith.mulf %mul3A_453, %add3A_459 : vector<256x128xf32>
    %add3A_461 = arith.constant 0.00833284482 : f32
    %add3A_462 = vector.broadcast %add3A_461 : f32 to vector<256x128xf32>
    %add3A_463 = arith.addf %add3A_462, %mul3A_460 : vector<256x128xf32>
    %mul3A_464 = arith.mulf %mul3A_453, %add3A_463 : vector<256x128xf32>
    %add3A_465 = arith.constant -0.166666448 : f32
    %add3A_466 = vector.broadcast %add3A_465 : f32 to vector<256x128xf32>
    %add3A_467 = arith.addf %add3A_466, %mul3A_464 : vector<256x128xf32>
    %mul3A_468 = arith.mulf %mul3A_453, %add3A_467 : vector<256x128xf32>
    %add3A_469 = arith.constant 1.000000e+00 : f32
    %add3A_470 = vector.broadcast %add3A_469 : f32 to vector<256x128xf32>
    %add3A_471 = arith.addf %add3A_470, %mul3A_468 : vector<256x128xf32>
    %mul3A_472 = arith.mulf %sub3A_440, %add3A_471 : vector<256x128xf32>
    %mul3A_473 = arith.constant -2.59917783E-7 : f32
    %mul3A_474 = vector.broadcast %mul3A_473 : f32 to vector<256x128xf32>
    %mul3A_475 = arith.mulf %mul3A_453, %mul3A_474 : vector<256x128xf32>
    %add3A_476 = arith.constant 2.47567768E-5 : f32
    %add3A_477 = vector.broadcast %add3A_476 : f32 to vector<256x128xf32>
    %add3A_478 = arith.addf %add3A_477, %mul3A_475 : vector<256x128xf32>
    %mul3A_479 = arith.mulf %mul3A_453, %add3A_478 : vector<256x128xf32>
    %add3A_480 = arith.constant -0.00138882955 : f32
    %add3A_481 = vector.broadcast %add3A_480 : f32 to vector<256x128xf32>
    %add3A_482 = arith.addf %add3A_481, %mul3A_479 : vector<256x128xf32>
    %mul3A_483 = arith.mulf %mul3A_453, %add3A_482 : vector<256x128xf32>
    %add3A_484 = arith.constant 0.0416666307 : f32
    %add3A_485 = vector.broadcast %add3A_484 : f32 to vector<256x128xf32>
    %add3A_486 = arith.addf %add3A_485, %mul3A_483 : vector<256x128xf32>
    %mul3A_487 = arith.mulf %mul3A_453, %add3A_486 : vector<256x128xf32>
    %add3A_488 = arith.constant -5.000000e-01 : f32
    %add3A_489 = vector.broadcast %add3A_488 : f32 to vector<256x128xf32>
    %add3A_490 = arith.addf %add3A_489, %mul3A_487 : vector<256x128xf32>
    %mul3A_491 = arith.mulf %mul3A_453, %add3A_490 : vector<256x128xf32>
    %add3A_492 = arith.constant 1.000000e+00 : f32
    %add3A_493 = vector.broadcast %add3A_492 : f32 to vector<256x128xf32>
    %add3A_494 = arith.addf %add3A_493, %mul3A_491 : vector<256x128xf32>
    %mul3A_495 = arith.mulf %select_n3A_452, %mul3A_472 : vector<256x128xf32>
    %mul3A_496 = arith.mulf %select_n3A_452, %add3A_494 : vector<256x128xf32>
    %mul3A_497 = vector.broadcast %slice3A_423 : vector<256x1xf32> to vector<256x128xf32>
    %mul3A_498 = arith.mulf %mul3A_497, %mul3A_495 : vector<256x128xf32>
    %convert_element_type3A_499 = arith.truncf %mul3A_498 : vector<256x128xf32> to vector<256x128xbf16>
    %mul3A_500 = vector.broadcast %slice3A_423 : vector<256x1xf32> to vector<256x128xf32>
    %mul3A_501 = arith.mulf %mul3A_500, %mul3A_496 : vector<256x128xf32>
    %convert_element_type3A_502 = arith.truncf %mul3A_501 : vector<256x128xf32> to vector<256x128xbf16>
    %slice3A_503 = vector.extract_strided_slice %mul3A_185 {offsets = [0, 3], sizes = [256, 1], strides = [1, 1]} : vector<256x8xf32> to vector<256x1xf32>
    %slice3A_504 = vector.extract_strided_slice %mul3A_187 {offsets = [0, 3], sizes = [256, 1], strides = [1, 1]} : vector<256x8xf32> to vector<256x1xf32>
    %mul3A_505 = vector.broadcast %slice3A_503 : vector<256x1xf32> to vector<256x128xf32>
    %mul3A_506 = arith.mulf %mul3A_505, %convert_element_type3A : vector<256x128xf32>
    %mul3A_507 = arith.constant 0.318309873 : f32
    %mul3A_508 = vector.broadcast %mul3A_507 : f32 to vector<256x128xf32>
    %mul3A_509 = arith.mulf %mul3A_506, %mul3A_508 : vector<256x128xf32>
    %add3A_510 = arith.constant 5.000000e-01 : f32
    %add3A_511 = vector.broadcast %add3A_510 : f32 to vector<256x128xf32>
    %add3A_512 = arith.addf %mul3A_509, %add3A_511 : vector<256x128xf32>
    %floor3A_513 = math.floor %add3A_512 : vector<256x128xf32>
    %mul3A_514 = arith.constant 3.140625 : f32
    %mul3A_515 = vector.broadcast %mul3A_514 : f32 to vector<256x128xf32>
    %mul3A_516 = arith.mulf %floor3A_513, %mul3A_515 : vector<256x128xf32>
    %sub3A_517 = arith.subf %mul3A_506, %mul3A_516 : vector<256x128xf32>
    %mul3A_518 = arith.constant 9.67653584E-4 : f32
    %mul3A_519 = vector.broadcast %mul3A_518 : f32 to vector<256x128xf32>
    %mul3A_520 = arith.mulf %floor3A_513, %mul3A_519 : vector<256x128xf32>
    %sub3A_521 = arith.subf %sub3A_517, %mul3A_520 : vector<256x128xf32>
    %convert_element_type3A_522 = arith.fptosi %floor3A_513 : vector<256x128xf32> to vector<256x128xi32>
    %and3A_523 = arith.constant 1 : i32
    %and3A_524 = vector.broadcast %and3A_523 : i32 to vector<256x128xi32>
    %and3A_525 = arith.andi %convert_element_type3A_522, %and3A_524 : vector<256x128xi32>
    %eq3A_526 = arith.constant 0 : i32
    %eq3A_527 = vector.broadcast %eq3A_526 : i32 to vector<256x128xi32>
    %eq3A_528 = arith.cmpi eq, %and3A_525, %eq3A_527 : vector<256x128xi32>
    %jit3A_529 = arith.constant 1.000000e+00 : f32
    %jit3A_530 = arith.constant -1.000000e+00 : f32
    %broadcast_in_dim3A_531 = vector.broadcast %jit3A_529 : f32 to vector<256x128xf32>
    %broadcast_in_dim3A_532 = vector.broadcast %jit3A_530 : f32 to vector<256x128xf32>
    %select_n3A_533 = arith.select %eq3A_528, %broadcast_in_dim3A_531, %broadcast_in_dim3A_532 : vector<256x128xi1>, vector<256x128xf32>
    %mul3A_534 = arith.mulf %sub3A_521, %sub3A_521 : vector<256x128xf32>
    %mul3A_535 = arith.constant 2.58393766E-6 : f32
    %mul3A_536 = vector.broadcast %mul3A_535 : f32 to vector<256x128xf32>
    %mul3A_537 = arith.mulf %mul3A_534, %mul3A_536 : vector<256x128xf32>
    %add3A_538 = arith.constant -1.97975969E-4 : f32
    %add3A_539 = vector.broadcast %add3A_538 : f32 to vector<256x128xf32>
    %add3A_540 = arith.addf %add3A_539, %mul3A_537 : vector<256x128xf32>
    %mul3A_541 = arith.mulf %mul3A_534, %add3A_540 : vector<256x128xf32>
    %add3A_542 = arith.constant 0.00833284482 : f32
    %add3A_543 = vector.broadcast %add3A_542 : f32 to vector<256x128xf32>
    %add3A_544 = arith.addf %add3A_543, %mul3A_541 : vector<256x128xf32>
    %mul3A_545 = arith.mulf %mul3A_534, %add3A_544 : vector<256x128xf32>
    %add3A_546 = arith.constant -0.166666448 : f32
    %add3A_547 = vector.broadcast %add3A_546 : f32 to vector<256x128xf32>
    %add3A_548 = arith.addf %add3A_547, %mul3A_545 : vector<256x128xf32>
    %mul3A_549 = arith.mulf %mul3A_534, %add3A_548 : vector<256x128xf32>
    %add3A_550 = arith.constant 1.000000e+00 : f32
    %add3A_551 = vector.broadcast %add3A_550 : f32 to vector<256x128xf32>
    %add3A_552 = arith.addf %add3A_551, %mul3A_549 : vector<256x128xf32>
    %mul3A_553 = arith.mulf %sub3A_521, %add3A_552 : vector<256x128xf32>
    %mul3A_554 = arith.constant -2.59917783E-7 : f32
    %mul3A_555 = vector.broadcast %mul3A_554 : f32 to vector<256x128xf32>
    %mul3A_556 = arith.mulf %mul3A_534, %mul3A_555 : vector<256x128xf32>
    %add3A_557 = arith.constant 2.47567768E-5 : f32
    %add3A_558 = vector.broadcast %add3A_557 : f32 to vector<256x128xf32>
    %add3A_559 = arith.addf %add3A_558, %mul3A_556 : vector<256x128xf32>
    %mul3A_560 = arith.mulf %mul3A_534, %add3A_559 : vector<256x128xf32>
    %add3A_561 = arith.constant -0.00138882955 : f32
    %add3A_562 = vector.broadcast %add3A_561 : f32 to vector<256x128xf32>
    %add3A_563 = arith.addf %add3A_562, %mul3A_560 : vector<256x128xf32>
    %mul3A_564 = arith.mulf %mul3A_534, %add3A_563 : vector<256x128xf32>
    %add3A_565 = arith.constant 0.0416666307 : f32
    %add3A_566 = vector.broadcast %add3A_565 : f32 to vector<256x128xf32>
    %add3A_567 = arith.addf %add3A_566, %mul3A_564 : vector<256x128xf32>
    %mul3A_568 = arith.mulf %mul3A_534, %add3A_567 : vector<256x128xf32>
    %add3A_569 = arith.constant -5.000000e-01 : f32
    %add3A_570 = vector.broadcast %add3A_569 : f32 to vector<256x128xf32>
    %add3A_571 = arith.addf %add3A_570, %mul3A_568 : vector<256x128xf32>
    %mul3A_572 = arith.mulf %mul3A_534, %add3A_571 : vector<256x128xf32>
    %add3A_573 = arith.constant 1.000000e+00 : f32
    %add3A_574 = vector.broadcast %add3A_573 : f32 to vector<256x128xf32>
    %add3A_575 = arith.addf %add3A_574, %mul3A_572 : vector<256x128xf32>
    %mul3A_576 = arith.mulf %select_n3A_533, %mul3A_553 : vector<256x128xf32>
    %mul3A_577 = arith.mulf %select_n3A_533, %add3A_575 : vector<256x128xf32>
    %mul3A_578 = vector.broadcast %slice3A_504 : vector<256x1xf32> to vector<256x128xf32>
    %mul3A_579 = arith.mulf %mul3A_578, %mul3A_576 : vector<256x128xf32>
    %convert_element_type3A_580 = arith.truncf %mul3A_579 : vector<256x128xf32> to vector<256x128xbf16>
    %mul3A_581 = vector.broadcast %slice3A_504 : vector<256x1xf32> to vector<256x128xf32>
    %mul3A_582 = arith.mulf %mul3A_581, %mul3A_577 : vector<256x128xf32>
    %convert_element_type3A_583 = arith.truncf %mul3A_582 : vector<256x128xf32> to vector<256x128xbf16>
    %slice3A_584 = vector.extract_strided_slice %mul3A_185 {offsets = [0, 4], sizes = [256, 1], strides = [1, 1]} : vector<256x8xf32> to vector<256x1xf32>
    %slice3A_585 = vector.extract_strided_slice %mul3A_187 {offsets = [0, 4], sizes = [256, 1], strides = [1, 1]} : vector<256x8xf32> to vector<256x1xf32>
    %mul3A_586 = vector.broadcast %slice3A_584 : vector<256x1xf32> to vector<256x128xf32>
    %mul3A_587 = arith.mulf %mul3A_586, %convert_element_type3A : vector<256x128xf32>
    %mul3A_588 = arith.constant 0.318309873 : f32
    %mul3A_589 = vector.broadcast %mul3A_588 : f32 to vector<256x128xf32>
    %mul3A_590 = arith.mulf %mul3A_587, %mul3A_589 : vector<256x128xf32>
    %add3A_591 = arith.constant 5.000000e-01 : f32
    %add3A_592 = vector.broadcast %add3A_591 : f32 to vector<256x128xf32>
    %add3A_593 = arith.addf %mul3A_590, %add3A_592 : vector<256x128xf32>
    %floor3A_594 = math.floor %add3A_593 : vector<256x128xf32>
    %mul3A_595 = arith.constant 3.140625 : f32
    %mul3A_596 = vector.broadcast %mul3A_595 : f32 to vector<256x128xf32>
    %mul3A_597 = arith.mulf %floor3A_594, %mul3A_596 : vector<256x128xf32>
    %sub3A_598 = arith.subf %mul3A_587, %mul3A_597 : vector<256x128xf32>
    %mul3A_599 = arith.constant 9.67653584E-4 : f32
    %mul3A_600 = vector.broadcast %mul3A_599 : f32 to vector<256x128xf32>
    %mul3A_601 = arith.mulf %floor3A_594, %mul3A_600 : vector<256x128xf32>
    %sub3A_602 = arith.subf %sub3A_598, %mul3A_601 : vector<256x128xf32>
    %convert_element_type3A_603 = arith.fptosi %floor3A_594 : vector<256x128xf32> to vector<256x128xi32>
    %and3A_604 = arith.constant 1 : i32
    %and3A_605 = vector.broadcast %and3A_604 : i32 to vector<256x128xi32>
    %and3A_606 = arith.andi %convert_element_type3A_603, %and3A_605 : vector<256x128xi32>
    %eq3A_607 = arith.constant 0 : i32
    %eq3A_608 = vector.broadcast %eq3A_607 : i32 to vector<256x128xi32>
    %eq3A_609 = arith.cmpi eq, %and3A_606, %eq3A_608 : vector<256x128xi32>
    %jit3A_610 = arith.constant 1.000000e+00 : f32
    %jit3A_611 = arith.constant -1.000000e+00 : f32
    %broadcast_in_dim3A_612 = vector.broadcast %jit3A_610 : f32 to vector<256x128xf32>
    %broadcast_in_dim3A_613 = vector.broadcast %jit3A_611 : f32 to vector<256x128xf32>
    %select_n3A_614 = arith.select %eq3A_609, %broadcast_in_dim3A_612, %broadcast_in_dim3A_613 : vector<256x128xi1>, vector<256x128xf32>
    %mul3A_615 = arith.mulf %sub3A_602, %sub3A_602 : vector<256x128xf32>
    %mul3A_616 = arith.constant 2.58393766E-6 : f32
    %mul3A_617 = vector.broadcast %mul3A_616 : f32 to vector<256x128xf32>
    %mul3A_618 = arith.mulf %mul3A_615, %mul3A_617 : vector<256x128xf32>
    %add3A_619 = arith.constant -1.97975969E-4 : f32
    %add3A_620 = vector.broadcast %add3A_619 : f32 to vector<256x128xf32>
    %add3A_621 = arith.addf %add3A_620, %mul3A_618 : vector<256x128xf32>
    %mul3A_622 = arith.mulf %mul3A_615, %add3A_621 : vector<256x128xf32>
    %add3A_623 = arith.constant 0.00833284482 : f32
    %add3A_624 = vector.broadcast %add3A_623 : f32 to vector<256x128xf32>
    %add3A_625 = arith.addf %add3A_624, %mul3A_622 : vector<256x128xf32>
    %mul3A_626 = arith.mulf %mul3A_615, %add3A_625 : vector<256x128xf32>
    %add3A_627 = arith.constant -0.166666448 : f32
    %add3A_628 = vector.broadcast %add3A_627 : f32 to vector<256x128xf32>
    %add3A_629 = arith.addf %add3A_628, %mul3A_626 : vector<256x128xf32>
    %mul3A_630 = arith.mulf %mul3A_615, %add3A_629 : vector<256x128xf32>
    %add3A_631 = arith.constant 1.000000e+00 : f32
    %add3A_632 = vector.broadcast %add3A_631 : f32 to vector<256x128xf32>
    %add3A_633 = arith.addf %add3A_632, %mul3A_630 : vector<256x128xf32>
    %mul3A_634 = arith.mulf %sub3A_602, %add3A_633 : vector<256x128xf32>
    %mul3A_635 = arith.constant -2.59917783E-7 : f32
    %mul3A_636 = vector.broadcast %mul3A_635 : f32 to vector<256x128xf32>
    %mul3A_637 = arith.mulf %mul3A_615, %mul3A_636 : vector<256x128xf32>
    %add3A_638 = arith.constant 2.47567768E-5 : f32
    %add3A_639 = vector.broadcast %add3A_638 : f32 to vector<256x128xf32>
    %add3A_640 = arith.addf %add3A_639, %mul3A_637 : vector<256x128xf32>
    %mul3A_641 = arith.mulf %mul3A_615, %add3A_640 : vector<256x128xf32>
    %add3A_642 = arith.constant -0.00138882955 : f32
    %add3A_643 = vector.broadcast %add3A_642 : f32 to vector<256x128xf32>
    %add3A_644 = arith.addf %add3A_643, %mul3A_641 : vector<256x128xf32>
    %mul3A_645 = arith.mulf %mul3A_615, %add3A_644 : vector<256x128xf32>
    %add3A_646 = arith.constant 0.0416666307 : f32
    %add3A_647 = vector.broadcast %add3A_646 : f32 to vector<256x128xf32>
    %add3A_648 = arith.addf %add3A_647, %mul3A_645 : vector<256x128xf32>
    %mul3A_649 = arith.mulf %mul3A_615, %add3A_648 : vector<256x128xf32>
    %add3A_650 = arith.constant -5.000000e-01 : f32
    %add3A_651 = vector.broadcast %add3A_650 : f32 to vector<256x128xf32>
    %add3A_652 = arith.addf %add3A_651, %mul3A_649 : vector<256x128xf32>
    %mul3A_653 = arith.mulf %mul3A_615, %add3A_652 : vector<256x128xf32>
    %add3A_654 = arith.constant 1.000000e+00 : f32
    %add3A_655 = vector.broadcast %add3A_654 : f32 to vector<256x128xf32>
    %add3A_656 = arith.addf %add3A_655, %mul3A_653 : vector<256x128xf32>
    %mul3A_657 = arith.mulf %select_n3A_614, %mul3A_634 : vector<256x128xf32>
    %mul3A_658 = arith.mulf %select_n3A_614, %add3A_656 : vector<256x128xf32>
    %mul3A_659 = vector.broadcast %slice3A_585 : vector<256x1xf32> to vector<256x128xf32>
    %mul3A_660 = arith.mulf %mul3A_659, %mul3A_657 : vector<256x128xf32>
    %convert_element_type3A_661 = arith.truncf %mul3A_660 : vector<256x128xf32> to vector<256x128xbf16>
    %mul3A_662 = vector.broadcast %slice3A_585 : vector<256x1xf32> to vector<256x128xf32>
    %mul3A_663 = arith.mulf %mul3A_662, %mul3A_658 : vector<256x128xf32>
    %convert_element_type3A_664 = arith.truncf %mul3A_663 : vector<256x128xf32> to vector<256x128xbf16>
    %slice3A_665 = vector.extract_strided_slice %mul3A_185 {offsets = [0, 5], sizes = [256, 1], strides = [1, 1]} : vector<256x8xf32> to vector<256x1xf32>
    %slice3A_666 = vector.extract_strided_slice %mul3A_187 {offsets = [0, 5], sizes = [256, 1], strides = [1, 1]} : vector<256x8xf32> to vector<256x1xf32>
    %mul3A_667 = vector.broadcast %slice3A_665 : vector<256x1xf32> to vector<256x128xf32>
    %mul3A_668 = arith.mulf %mul3A_667, %convert_element_type3A : vector<256x128xf32>
    %mul3A_669 = arith.constant 0.318309873 : f32
    %mul3A_670 = vector.broadcast %mul3A_669 : f32 to vector<256x128xf32>
    %mul3A_671 = arith.mulf %mul3A_668, %mul3A_670 : vector<256x128xf32>
    %add3A_672 = arith.constant 5.000000e-01 : f32
    %add3A_673 = vector.broadcast %add3A_672 : f32 to vector<256x128xf32>
    %add3A_674 = arith.addf %mul3A_671, %add3A_673 : vector<256x128xf32>
    %floor3A_675 = math.floor %add3A_674 : vector<256x128xf32>
    %mul3A_676 = arith.constant 3.140625 : f32
    %mul3A_677 = vector.broadcast %mul3A_676 : f32 to vector<256x128xf32>
    %mul3A_678 = arith.mulf %floor3A_675, %mul3A_677 : vector<256x128xf32>
    %sub3A_679 = arith.subf %mul3A_668, %mul3A_678 : vector<256x128xf32>
    %mul3A_680 = arith.constant 9.67653584E-4 : f32
    %mul3A_681 = vector.broadcast %mul3A_680 : f32 to vector<256x128xf32>
    %mul3A_682 = arith.mulf %floor3A_675, %mul3A_681 : vector<256x128xf32>
    %sub3A_683 = arith.subf %sub3A_679, %mul3A_682 : vector<256x128xf32>
    %convert_element_type3A_684 = arith.fptosi %floor3A_675 : vector<256x128xf32> to vector<256x128xi32>
    %and3A_685 = arith.constant 1 : i32
    %and3A_686 = vector.broadcast %and3A_685 : i32 to vector<256x128xi32>
    %and3A_687 = arith.andi %convert_element_type3A_684, %and3A_686 : vector<256x128xi32>
    %eq3A_688 = arith.constant 0 : i32
    %eq3A_689 = vector.broadcast %eq3A_688 : i32 to vector<256x128xi32>
    %eq3A_690 = arith.cmpi eq, %and3A_687, %eq3A_689 : vector<256x128xi32>
    %jit3A_691 = arith.constant 1.000000e+00 : f32
    %jit3A_692 = arith.constant -1.000000e+00 : f32
    %broadcast_in_dim3A_693 = vector.broadcast %jit3A_691 : f32 to vector<256x128xf32>
    %broadcast_in_dim3A_694 = vector.broadcast %jit3A_692 : f32 to vector<256x128xf32>
    %select_n3A_695 = arith.select %eq3A_690, %broadcast_in_dim3A_693, %broadcast_in_dim3A_694 : vector<256x128xi1>, vector<256x128xf32>
    %mul3A_696 = arith.mulf %sub3A_683, %sub3A_683 : vector<256x128xf32>
    %mul3A_697 = arith.constant 2.58393766E-6 : f32
    %mul3A_698 = vector.broadcast %mul3A_697 : f32 to vector<256x128xf32>
    %mul3A_699 = arith.mulf %mul3A_696, %mul3A_698 : vector<256x128xf32>
    %add3A_700 = arith.constant -1.97975969E-4 : f32
    %add3A_701 = vector.broadcast %add3A_700 : f32 to vector<256x128xf32>
    %add3A_702 = arith.addf %add3A_701, %mul3A_699 : vector<256x128xf32>
    %mul3A_703 = arith.mulf %mul3A_696, %add3A_702 : vector<256x128xf32>
    %add3A_704 = arith.constant 0.00833284482 : f32
    %add3A_705 = vector.broadcast %add3A_704 : f32 to vector<256x128xf32>
    %add3A_706 = arith.addf %add3A_705, %mul3A_703 : vector<256x128xf32>
    %mul3A_707 = arith.mulf %mul3A_696, %add3A_706 : vector<256x128xf32>
    %add3A_708 = arith.constant -0.166666448 : f32
    %add3A_709 = vector.broadcast %add3A_708 : f32 to vector<256x128xf32>
    %add3A_710 = arith.addf %add3A_709, %mul3A_707 : vector<256x128xf32>
    %mul3A_711 = arith.mulf %mul3A_696, %add3A_710 : vector<256x128xf32>
    %add3A_712 = arith.constant 1.000000e+00 : f32
    %add3A_713 = vector.broadcast %add3A_712 : f32 to vector<256x128xf32>
    %add3A_714 = arith.addf %add3A_713, %mul3A_711 : vector<256x128xf32>
    %mul3A_715 = arith.mulf %sub3A_683, %add3A_714 : vector<256x128xf32>
    %mul3A_716 = arith.constant -2.59917783E-7 : f32
    %mul3A_717 = vector.broadcast %mul3A_716 : f32 to vector<256x128xf32>
    %mul3A_718 = arith.mulf %mul3A_696, %mul3A_717 : vector<256x128xf32>
    %add3A_719 = arith.constant 2.47567768E-5 : f32
    %add3A_720 = vector.broadcast %add3A_719 : f32 to vector<256x128xf32>
    %add3A_721 = arith.addf %add3A_720, %mul3A_718 : vector<256x128xf32>
    %mul3A_722 = arith.mulf %mul3A_696, %add3A_721 : vector<256x128xf32>
    %add3A_723 = arith.constant -0.00138882955 : f32
    %add3A_724 = vector.broadcast %add3A_723 : f32 to vector<256x128xf32>
    %add3A_725 = arith.addf %add3A_724, %mul3A_722 : vector<256x128xf32>
    %mul3A_726 = arith.mulf %mul3A_696, %add3A_725 : vector<256x128xf32>
    %add3A_727 = arith.constant 0.0416666307 : f32
    %add3A_728 = vector.broadcast %add3A_727 : f32 to vector<256x128xf32>
    %add3A_729 = arith.addf %add3A_728, %mul3A_726 : vector<256x128xf32>
    %mul3A_730 = arith.mulf %mul3A_696, %add3A_729 : vector<256x128xf32>
    %add3A_731 = arith.constant -5.000000e-01 : f32
    %add3A_732 = vector.broadcast %add3A_731 : f32 to vector<256x128xf32>
    %add3A_733 = arith.addf %add3A_732, %mul3A_730 : vector<256x128xf32>
    %mul3A_734 = arith.mulf %mul3A_696, %add3A_733 : vector<256x128xf32>
    %add3A_735 = arith.constant 1.000000e+00 : f32
    %add3A_736 = vector.broadcast %add3A_735 : f32 to vector<256x128xf32>
    %add3A_737 = arith.addf %add3A_736, %mul3A_734 : vector<256x128xf32>
    %mul3A_738 = arith.mulf %select_n3A_695, %mul3A_715 : vector<256x128xf32>
    %mul3A_739 = arith.mulf %select_n3A_695, %add3A_737 : vector<256x128xf32>
    %mul3A_740 = vector.broadcast %slice3A_666 : vector<256x1xf32> to vector<256x128xf32>
    %mul3A_741 = arith.mulf %mul3A_740, %mul3A_738 : vector<256x128xf32>
    %convert_element_type3A_742 = arith.truncf %mul3A_741 : vector<256x128xf32> to vector<256x128xbf16>
    %mul3A_743 = vector.broadcast %slice3A_666 : vector<256x1xf32> to vector<256x128xf32>
    %mul3A_744 = arith.mulf %mul3A_743, %mul3A_739 : vector<256x128xf32>
    %convert_element_type3A_745 = arith.truncf %mul3A_744 : vector<256x128xf32> to vector<256x128xbf16>
    %slice3A_746 = vector.extract_strided_slice %mul3A_185 {offsets = [0, 6], sizes = [256, 1], strides = [1, 1]} : vector<256x8xf32> to vector<256x1xf32>
    %slice3A_747 = vector.extract_strided_slice %mul3A_187 {offsets = [0, 6], sizes = [256, 1], strides = [1, 1]} : vector<256x8xf32> to vector<256x1xf32>
    %mul3A_748 = vector.broadcast %slice3A_746 : vector<256x1xf32> to vector<256x128xf32>
    %mul3A_749 = arith.mulf %mul3A_748, %convert_element_type3A : vector<256x128xf32>
    %mul3A_750 = arith.constant 0.318309873 : f32
    %mul3A_751 = vector.broadcast %mul3A_750 : f32 to vector<256x128xf32>
    %mul3A_752 = arith.mulf %mul3A_749, %mul3A_751 : vector<256x128xf32>
    %add3A_753 = arith.constant 5.000000e-01 : f32
    %add3A_754 = vector.broadcast %add3A_753 : f32 to vector<256x128xf32>
    %add3A_755 = arith.addf %mul3A_752, %add3A_754 : vector<256x128xf32>
    %floor3A_756 = math.floor %add3A_755 : vector<256x128xf32>
    %mul3A_757 = arith.constant 3.140625 : f32
    %mul3A_758 = vector.broadcast %mul3A_757 : f32 to vector<256x128xf32>
    %mul3A_759 = arith.mulf %floor3A_756, %mul3A_758 : vector<256x128xf32>
    %sub3A_760 = arith.subf %mul3A_749, %mul3A_759 : vector<256x128xf32>
    %mul3A_761 = arith.constant 9.67653584E-4 : f32
    %mul3A_762 = vector.broadcast %mul3A_761 : f32 to vector<256x128xf32>
    %mul3A_763 = arith.mulf %floor3A_756, %mul3A_762 : vector<256x128xf32>
    %sub3A_764 = arith.subf %sub3A_760, %mul3A_763 : vector<256x128xf32>
    %convert_element_type3A_765 = arith.fptosi %floor3A_756 : vector<256x128xf32> to vector<256x128xi32>
    %and3A_766 = arith.constant 1 : i32
    %and3A_767 = vector.broadcast %and3A_766 : i32 to vector<256x128xi32>
    %and3A_768 = arith.andi %convert_element_type3A_765, %and3A_767 : vector<256x128xi32>
    %eq3A_769 = arith.constant 0 : i32
    %eq3A_770 = vector.broadcast %eq3A_769 : i32 to vector<256x128xi32>
    %eq3A_771 = arith.cmpi eq, %and3A_768, %eq3A_770 : vector<256x128xi32>
    %jit3A_772 = arith.constant 1.000000e+00 : f32
    %jit3A_773 = arith.constant -1.000000e+00 : f32
    %broadcast_in_dim3A_774 = vector.broadcast %jit3A_772 : f32 to vector<256x128xf32>
    %broadcast_in_dim3A_775 = vector.broadcast %jit3A_773 : f32 to vector<256x128xf32>
    %select_n3A_776 = arith.select %eq3A_771, %broadcast_in_dim3A_774, %broadcast_in_dim3A_775 : vector<256x128xi1>, vector<256x128xf32>
    %mul3A_777 = arith.mulf %sub3A_764, %sub3A_764 : vector<256x128xf32>
    %mul3A_778 = arith.constant 2.58393766E-6 : f32
    %mul3A_779 = vector.broadcast %mul3A_778 : f32 to vector<256x128xf32>
    %mul3A_780 = arith.mulf %mul3A_777, %mul3A_779 : vector<256x128xf32>
    %add3A_781 = arith.constant -1.97975969E-4 : f32
    %add3A_782 = vector.broadcast %add3A_781 : f32 to vector<256x128xf32>
    %add3A_783 = arith.addf %add3A_782, %mul3A_780 : vector<256x128xf32>
    %mul3A_784 = arith.mulf %mul3A_777, %add3A_783 : vector<256x128xf32>
    %add3A_785 = arith.constant 0.00833284482 : f32
    %add3A_786 = vector.broadcast %add3A_785 : f32 to vector<256x128xf32>
    %add3A_787 = arith.addf %add3A_786, %mul3A_784 : vector<256x128xf32>
    %mul3A_788 = arith.mulf %mul3A_777, %add3A_787 : vector<256x128xf32>
    %add3A_789 = arith.constant -0.166666448 : f32
    %add3A_790 = vector.broadcast %add3A_789 : f32 to vector<256x128xf32>
    %add3A_791 = arith.addf %add3A_790, %mul3A_788 : vector<256x128xf32>
    %mul3A_792 = arith.mulf %mul3A_777, %add3A_791 : vector<256x128xf32>
    %add3A_793 = arith.constant 1.000000e+00 : f32
    %add3A_794 = vector.broadcast %add3A_793 : f32 to vector<256x128xf32>
    %add3A_795 = arith.addf %add3A_794, %mul3A_792 : vector<256x128xf32>
    %mul3A_796 = arith.mulf %sub3A_764, %add3A_795 : vector<256x128xf32>
    %mul3A_797 = arith.constant -2.59917783E-7 : f32
    %mul3A_798 = vector.broadcast %mul3A_797 : f32 to vector<256x128xf32>
    %mul3A_799 = arith.mulf %mul3A_777, %mul3A_798 : vector<256x128xf32>
    %add3A_800 = arith.constant 2.47567768E-5 : f32
    %add3A_801 = vector.broadcast %add3A_800 : f32 to vector<256x128xf32>
    %add3A_802 = arith.addf %add3A_801, %mul3A_799 : vector<256x128xf32>
    %mul3A_803 = arith.mulf %mul3A_777, %add3A_802 : vector<256x128xf32>
    %add3A_804 = arith.constant -0.00138882955 : f32
    %add3A_805 = vector.broadcast %add3A_804 : f32 to vector<256x128xf32>
    %add3A_806 = arith.addf %add3A_805, %mul3A_803 : vector<256x128xf32>
    %mul3A_807 = arith.mulf %mul3A_777, %add3A_806 : vector<256x128xf32>
    %add3A_808 = arith.constant 0.0416666307 : f32
    %add3A_809 = vector.broadcast %add3A_808 : f32 to vector<256x128xf32>
    %add3A_810 = arith.addf %add3A_809, %mul3A_807 : vector<256x128xf32>
    %mul3A_811 = arith.mulf %mul3A_777, %add3A_810 : vector<256x128xf32>
    %add3A_812 = arith.constant -5.000000e-01 : f32
    %add3A_813 = vector.broadcast %add3A_812 : f32 to vector<256x128xf32>
    %add3A_814 = arith.addf %add3A_813, %mul3A_811 : vector<256x128xf32>
    %mul3A_815 = arith.mulf %mul3A_777, %add3A_814 : vector<256x128xf32>
    %add3A_816 = arith.constant 1.000000e+00 : f32
    %add3A_817 = vector.broadcast %add3A_816 : f32 to vector<256x128xf32>
    %add3A_818 = arith.addf %add3A_817, %mul3A_815 : vector<256x128xf32>
    %mul3A_819 = arith.mulf %select_n3A_776, %mul3A_796 : vector<256x128xf32>
    %mul3A_820 = arith.mulf %select_n3A_776, %add3A_818 : vector<256x128xf32>
    %mul3A_821 = vector.broadcast %slice3A_747 : vector<256x1xf32> to vector<256x128xf32>
    %mul3A_822 = arith.mulf %mul3A_821, %mul3A_819 : vector<256x128xf32>
    %convert_element_type3A_823 = arith.truncf %mul3A_822 : vector<256x128xf32> to vector<256x128xbf16>
    %mul3A_824 = vector.broadcast %slice3A_747 : vector<256x1xf32> to vector<256x128xf32>
    %mul3A_825 = arith.mulf %mul3A_824, %mul3A_820 : vector<256x128xf32>
    %convert_element_type3A_826 = arith.truncf %mul3A_825 : vector<256x128xf32> to vector<256x128xbf16>
    %slice3A_827 = vector.extract_strided_slice %mul3A_185 {offsets = [0, 7], sizes = [256, 1], strides = [1, 1]} : vector<256x8xf32> to vector<256x1xf32>
    %slice3A_828 = vector.extract_strided_slice %mul3A_187 {offsets = [0, 7], sizes = [256, 1], strides = [1, 1]} : vector<256x8xf32> to vector<256x1xf32>
    %mul3A_829 = vector.broadcast %slice3A_827 : vector<256x1xf32> to vector<256x128xf32>
    %mul3A_830 = arith.mulf %mul3A_829, %convert_element_type3A : vector<256x128xf32>
    %mul3A_831 = arith.constant 0.318309873 : f32
    %mul3A_832 = vector.broadcast %mul3A_831 : f32 to vector<256x128xf32>
    %mul3A_833 = arith.mulf %mul3A_830, %mul3A_832 : vector<256x128xf32>
    %add3A_834 = arith.constant 5.000000e-01 : f32
    %add3A_835 = vector.broadcast %add3A_834 : f32 to vector<256x128xf32>
    %add3A_836 = arith.addf %mul3A_833, %add3A_835 : vector<256x128xf32>
    %floor3A_837 = math.floor %add3A_836 : vector<256x128xf32>
    %mul3A_838 = arith.constant 3.140625 : f32
    %mul3A_839 = vector.broadcast %mul3A_838 : f32 to vector<256x128xf32>
    %mul3A_840 = arith.mulf %floor3A_837, %mul3A_839 : vector<256x128xf32>
    %sub3A_841 = arith.subf %mul3A_830, %mul3A_840 : vector<256x128xf32>
    %mul3A_842 = arith.constant 9.67653584E-4 : f32
    %mul3A_843 = vector.broadcast %mul3A_842 : f32 to vector<256x128xf32>
    %mul3A_844 = arith.mulf %floor3A_837, %mul3A_843 : vector<256x128xf32>
    %sub3A_845 = arith.subf %sub3A_841, %mul3A_844 : vector<256x128xf32>
    %convert_element_type3A_846 = arith.fptosi %floor3A_837 : vector<256x128xf32> to vector<256x128xi32>
    %and3A_847 = arith.constant 1 : i32
    %and3A_848 = vector.broadcast %and3A_847 : i32 to vector<256x128xi32>
    %and3A_849 = arith.andi %convert_element_type3A_846, %and3A_848 : vector<256x128xi32>
    %eq3A_850 = arith.constant 0 : i32
    %eq3A_851 = vector.broadcast %eq3A_850 : i32 to vector<256x128xi32>
    %eq3A_852 = arith.cmpi eq, %and3A_849, %eq3A_851 : vector<256x128xi32>
    %jit3A_853 = arith.constant 1.000000e+00 : f32
    %jit3A_854 = arith.constant -1.000000e+00 : f32
    %broadcast_in_dim3A_855 = vector.broadcast %jit3A_853 : f32 to vector<256x128xf32>
    %broadcast_in_dim3A_856 = vector.broadcast %jit3A_854 : f32 to vector<256x128xf32>
    %select_n3A_857 = arith.select %eq3A_852, %broadcast_in_dim3A_855, %broadcast_in_dim3A_856 : vector<256x128xi1>, vector<256x128xf32>
    %mul3A_858 = arith.mulf %sub3A_845, %sub3A_845 : vector<256x128xf32>
    %mul3A_859 = arith.constant 2.58393766E-6 : f32
    %mul3A_860 = vector.broadcast %mul3A_859 : f32 to vector<256x128xf32>
    %mul3A_861 = arith.mulf %mul3A_858, %mul3A_860 : vector<256x128xf32>
    %add3A_862 = arith.constant -1.97975969E-4 : f32
    %add3A_863 = vector.broadcast %add3A_862 : f32 to vector<256x128xf32>
    %add3A_864 = arith.addf %add3A_863, %mul3A_861 : vector<256x128xf32>
    %mul3A_865 = arith.mulf %mul3A_858, %add3A_864 : vector<256x128xf32>
    %add3A_866 = arith.constant 0.00833284482 : f32
    %add3A_867 = vector.broadcast %add3A_866 : f32 to vector<256x128xf32>
    %add3A_868 = arith.addf %add3A_867, %mul3A_865 : vector<256x128xf32>
    %mul3A_869 = arith.mulf %mul3A_858, %add3A_868 : vector<256x128xf32>
    %add3A_870 = arith.constant -0.166666448 : f32
    %add3A_871 = vector.broadcast %add3A_870 : f32 to vector<256x128xf32>
    %add3A_872 = arith.addf %add3A_871, %mul3A_869 : vector<256x128xf32>
    %mul3A_873 = arith.mulf %mul3A_858, %add3A_872 : vector<256x128xf32>
    %add3A_874 = arith.constant 1.000000e+00 : f32
    %add3A_875 = vector.broadcast %add3A_874 : f32 to vector<256x128xf32>
    %add3A_876 = arith.addf %add3A_875, %mul3A_873 : vector<256x128xf32>
    %mul3A_877 = arith.mulf %sub3A_845, %add3A_876 : vector<256x128xf32>
    %mul3A_878 = arith.constant -2.59917783E-7 : f32
    %mul3A_879 = vector.broadcast %mul3A_878 : f32 to vector<256x128xf32>
    %mul3A_880 = arith.mulf %mul3A_858, %mul3A_879 : vector<256x128xf32>
    %add3A_881 = arith.constant 2.47567768E-5 : f32
    %add3A_882 = vector.broadcast %add3A_881 : f32 to vector<256x128xf32>
    %add3A_883 = arith.addf %add3A_882, %mul3A_880 : vector<256x128xf32>
    %mul3A_884 = arith.mulf %mul3A_858, %add3A_883 : vector<256x128xf32>
    %add3A_885 = arith.constant -0.00138882955 : f32
    %add3A_886 = vector.broadcast %add3A_885 : f32 to vector<256x128xf32>
    %add3A_887 = arith.addf %add3A_886, %mul3A_884 : vector<256x128xf32>
    %mul3A_888 = arith.mulf %mul3A_858, %add3A_887 : vector<256x128xf32>
    %add3A_889 = arith.constant 0.0416666307 : f32
    %add3A_890 = vector.broadcast %add3A_889 : f32 to vector<256x128xf32>
    %add3A_891 = arith.addf %add3A_890, %mul3A_888 : vector<256x128xf32>
    %mul3A_892 = arith.mulf %mul3A_858, %add3A_891 : vector<256x128xf32>
    %add3A_893 = arith.constant -5.000000e-01 : f32
    %add3A_894 = vector.broadcast %add3A_893 : f32 to vector<256x128xf32>
    %add3A_895 = arith.addf %add3A_894, %mul3A_892 : vector<256x128xf32>
    %mul3A_896 = arith.mulf %mul3A_858, %add3A_895 : vector<256x128xf32>
    %add3A_897 = arith.constant 1.000000e+00 : f32
    %add3A_898 = vector.broadcast %add3A_897 : f32 to vector<256x128xf32>
    %add3A_899 = arith.addf %add3A_898, %mul3A_896 : vector<256x128xf32>
    %mul3A_900 = arith.mulf %select_n3A_857, %mul3A_877 : vector<256x128xf32>
    %mul3A_901 = arith.mulf %select_n3A_857, %add3A_899 : vector<256x128xf32>
    %mul3A_902 = vector.broadcast %slice3A_828 : vector<256x1xf32> to vector<256x128xf32>
    %mul3A_903 = arith.mulf %mul3A_902, %mul3A_900 : vector<256x128xf32>
    %convert_element_type3A_904 = arith.truncf %mul3A_903 : vector<256x128xf32> to vector<256x128xbf16>
    %mul3A_905 = vector.broadcast %slice3A_828 : vector<256x1xf32> to vector<256x128xf32>
    %mul3A_906 = arith.mulf %mul3A_905, %mul3A_901 : vector<256x128xf32>
    %convert_element_type3A_907 = arith.truncf %mul3A_906 : vector<256x128xf32> to vector<256x128xbf16>
    %broadcast_in_dim3A_908 = arith.constant 0.000000e+00 : f32
    %broadcast_in_dim3A_909 = vector.broadcast %broadcast_in_dim3A_908 : f32 to vector<256x8xf32>
    %broadcast_in_dim3A_910 = arith.constant 1.000000e+00 : f32
    %broadcast_in_dim3A_911 = vector.broadcast %broadcast_in_dim3A_910 : f32 to vector<256x8xf32>
    %mul3A_912 = vector.broadcast %mul3A_59 : vector<256x1xf32> to vector<256x8xf32>
    %mul3A_913 = arith.mulf %mul3A_258, %mul3A_912 : vector<256x8xf32>
    %mul3A_914 = vector.broadcast %mul3A_59 : vector<256x1xf32> to vector<256x8xf32>
    %mul3A_915 = arith.mulf %mul3A_259, %mul3A_914 : vector<256x8xf32>
    %broadcast_in_dim3A_916 = arith.constant 0.000000e+00 : f32
    %broadcast_in_dim3A_917 = vector.broadcast %broadcast_in_dim3A_916 : f32 to vector<256x128xf32>
    %slice3A_918 = vector.extract_strided_slice %broadcast_in_dim3A_909 {offsets = [0, 0], sizes = [256, 1], strides = [1, 1]} : vector<256x8xf32> to vector<256x1xf32>
    %convert_element_type3A_919 = arith.extf %convert_element_type3A_340 : vector<256x128xbf16> to vector<256x128xf32>
    %mul3A_920 = vector.broadcast %slice3A_918 : vector<256x1xf32> to vector<256x128xf32>
    %mul3A_921 = arith.mulf %mul3A_920, %convert_element_type3A_919 : vector<256x128xf32>
    %add3A_922 = arith.addf %broadcast_in_dim3A_917, %mul3A_921 : vector<256x128xf32>
    %slice3A_923 = vector.extract_strided_slice %broadcast_in_dim3A_911 {offsets = [0, 0], sizes = [256, 1], strides = [1, 1]} : vector<256x8xf32> to vector<256x1xf32>
    %convert_element_type3A_924 = arith.extf %convert_element_type3A_337 : vector<256x128xbf16> to vector<256x128xf32>
    %mul3A_925 = vector.broadcast %slice3A_923 : vector<256x1xf32> to vector<256x128xf32>
    %mul3A_926 = arith.mulf %mul3A_925, %convert_element_type3A_924 : vector<256x128xf32>
    %add3A_927 = arith.addf %add3A_922, %mul3A_926 : vector<256x128xf32>
    %slice3A_928 = vector.extract_strided_slice %broadcast_in_dim3A_909 {offsets = [0, 1], sizes = [256, 1], strides = [1, 1]} : vector<256x8xf32> to vector<256x1xf32>
    %convert_element_type3A_929 = arith.extf %convert_element_type3A_421 : vector<256x128xbf16> to vector<256x128xf32>
    %mul3A_930 = vector.broadcast %slice3A_928 : vector<256x1xf32> to vector<256x128xf32>
    %mul3A_931 = arith.mulf %mul3A_930, %convert_element_type3A_929 : vector<256x128xf32>
    %add3A_932 = arith.addf %add3A_927, %mul3A_931 : vector<256x128xf32>
    %slice3A_933 = vector.extract_strided_slice %broadcast_in_dim3A_911 {offsets = [0, 1], sizes = [256, 1], strides = [1, 1]} : vector<256x8xf32> to vector<256x1xf32>
    %convert_element_type3A_934 = arith.extf %convert_element_type3A_418 : vector<256x128xbf16> to vector<256x128xf32>
    %mul3A_935 = vector.broadcast %slice3A_933 : vector<256x1xf32> to vector<256x128xf32>
    %mul3A_936 = arith.mulf %mul3A_935, %convert_element_type3A_934 : vector<256x128xf32>
    %add3A_937 = arith.addf %add3A_932, %mul3A_936 : vector<256x128xf32>
    %slice3A_938 = vector.extract_strided_slice %broadcast_in_dim3A_909 {offsets = [0, 2], sizes = [256, 1], strides = [1, 1]} : vector<256x8xf32> to vector<256x1xf32>
    %convert_element_type3A_939 = arith.extf %convert_element_type3A_502 : vector<256x128xbf16> to vector<256x128xf32>
    %mul3A_940 = vector.broadcast %slice3A_938 : vector<256x1xf32> to vector<256x128xf32>
    %mul3A_941 = arith.mulf %mul3A_940, %convert_element_type3A_939 : vector<256x128xf32>
    %add3A_942 = arith.addf %add3A_937, %mul3A_941 : vector<256x128xf32>
    %slice3A_943 = vector.extract_strided_slice %broadcast_in_dim3A_911 {offsets = [0, 2], sizes = [256, 1], strides = [1, 1]} : vector<256x8xf32> to vector<256x1xf32>
    %convert_element_type3A_944 = arith.extf %convert_element_type3A_499 : vector<256x128xbf16> to vector<256x128xf32>
    %mul3A_945 = vector.broadcast %slice3A_943 : vector<256x1xf32> to vector<256x128xf32>
    %mul3A_946 = arith.mulf %mul3A_945, %convert_element_type3A_944 : vector<256x128xf32>
    %add3A_947 = arith.addf %add3A_942, %mul3A_946 : vector<256x128xf32>
    %slice3A_948 = vector.extract_strided_slice %broadcast_in_dim3A_909 {offsets = [0, 3], sizes = [256, 1], strides = [1, 1]} : vector<256x8xf32> to vector<256x1xf32>
    %convert_element_type3A_949 = arith.extf %convert_element_type3A_583 : vector<256x128xbf16> to vector<256x128xf32>
    %mul3A_950 = vector.broadcast %slice3A_948 : vector<256x1xf32> to vector<256x128xf32>
    %mul3A_951 = arith.mulf %mul3A_950, %convert_element_type3A_949 : vector<256x128xf32>
    %add3A_952 = arith.addf %add3A_947, %mul3A_951 : vector<256x128xf32>
    %slice3A_953 = vector.extract_strided_slice %broadcast_in_dim3A_911 {offsets = [0, 3], sizes = [256, 1], strides = [1, 1]} : vector<256x8xf32> to vector<256x1xf32>
    %convert_element_type3A_954 = arith.extf %convert_element_type3A_580 : vector<256x128xbf16> to vector<256x128xf32>
    %mul3A_955 = vector.broadcast %slice3A_953 : vector<256x1xf32> to vector<256x128xf32>
    %mul3A_956 = arith.mulf %mul3A_955, %convert_element_type3A_954 : vector<256x128xf32>
    %add3A_957 = arith.addf %add3A_952, %mul3A_956 : vector<256x128xf32>
    %slice3A_958 = vector.extract_strided_slice %broadcast_in_dim3A_909 {offsets = [0, 4], sizes = [256, 1], strides = [1, 1]} : vector<256x8xf32> to vector<256x1xf32>
    %convert_element_type3A_959 = arith.extf %convert_element_type3A_664 : vector<256x128xbf16> to vector<256x128xf32>
    %mul3A_960 = vector.broadcast %slice3A_958 : vector<256x1xf32> to vector<256x128xf32>
    %mul3A_961 = arith.mulf %mul3A_960, %convert_element_type3A_959 : vector<256x128xf32>
    %add3A_962 = arith.addf %add3A_957, %mul3A_961 : vector<256x128xf32>
    %slice3A_963 = vector.extract_strided_slice %broadcast_in_dim3A_911 {offsets = [0, 4], sizes = [256, 1], strides = [1, 1]} : vector<256x8xf32> to vector<256x1xf32>
    %convert_element_type3A_964 = arith.extf %convert_element_type3A_661 : vector<256x128xbf16> to vector<256x128xf32>
    %mul3A_965 = vector.broadcast %slice3A_963 : vector<256x1xf32> to vector<256x128xf32>
    %mul3A_966 = arith.mulf %mul3A_965, %convert_element_type3A_964 : vector<256x128xf32>
    %add3A_967 = arith.addf %add3A_962, %mul3A_966 : vector<256x128xf32>
    %slice3A_968 = vector.extract_strided_slice %broadcast_in_dim3A_909 {offsets = [0, 5], sizes = [256, 1], strides = [1, 1]} : vector<256x8xf32> to vector<256x1xf32>
    %convert_element_type3A_969 = arith.extf %convert_element_type3A_745 : vector<256x128xbf16> to vector<256x128xf32>
    %mul3A_970 = vector.broadcast %slice3A_968 : vector<256x1xf32> to vector<256x128xf32>
    %mul3A_971 = arith.mulf %mul3A_970, %convert_element_type3A_969 : vector<256x128xf32>
    %add3A_972 = arith.addf %add3A_967, %mul3A_971 : vector<256x128xf32>
    %slice3A_973 = vector.extract_strided_slice %broadcast_in_dim3A_911 {offsets = [0, 5], sizes = [256, 1], strides = [1, 1]} : vector<256x8xf32> to vector<256x1xf32>
    %convert_element_type3A_974 = arith.extf %convert_element_type3A_742 : vector<256x128xbf16> to vector<256x128xf32>
    %mul3A_975 = vector.broadcast %slice3A_973 : vector<256x1xf32> to vector<256x128xf32>
    %mul3A_976 = arith.mulf %mul3A_975, %convert_element_type3A_974 : vector<256x128xf32>
    %add3A_977 = arith.addf %add3A_972, %mul3A_976 : vector<256x128xf32>
    %slice3A_978 = vector.extract_strided_slice %broadcast_in_dim3A_909 {offsets = [0, 6], sizes = [256, 1], strides = [1, 1]} : vector<256x8xf32> to vector<256x1xf32>
    %convert_element_type3A_979 = arith.extf %convert_element_type3A_826 : vector<256x128xbf16> to vector<256x128xf32>
    %mul3A_980 = vector.broadcast %slice3A_978 : vector<256x1xf32> to vector<256x128xf32>
    %mul3A_981 = arith.mulf %mul3A_980, %convert_element_type3A_979 : vector<256x128xf32>
    %add3A_982 = arith.addf %add3A_977, %mul3A_981 : vector<256x128xf32>
    %slice3A_983 = vector.extract_strided_slice %broadcast_in_dim3A_911 {offsets = [0, 6], sizes = [256, 1], strides = [1, 1]} : vector<256x8xf32> to vector<256x1xf32>
    %convert_element_type3A_984 = arith.extf %convert_element_type3A_823 : vector<256x128xbf16> to vector<256x128xf32>
    %mul3A_985 = vector.broadcast %slice3A_983 : vector<256x1xf32> to vector<256x128xf32>
    %mul3A_986 = arith.mulf %mul3A_985, %convert_element_type3A_984 : vector<256x128xf32>
    %add3A_987 = arith.addf %add3A_982, %mul3A_986 : vector<256x128xf32>
    %slice3A_988 = vector.extract_strided_slice %broadcast_in_dim3A_909 {offsets = [0, 7], sizes = [256, 1], strides = [1, 1]} : vector<256x8xf32> to vector<256x1xf32>
    %convert_element_type3A_989 = arith.extf %convert_element_type3A_907 : vector<256x128xbf16> to vector<256x128xf32>
    %mul3A_990 = vector.broadcast %slice3A_988 : vector<256x1xf32> to vector<256x128xf32>
    %mul3A_991 = arith.mulf %mul3A_990, %convert_element_type3A_989 : vector<256x128xf32>
    %add3A_992 = arith.addf %add3A_987, %mul3A_991 : vector<256x128xf32>
    %slice3A_993 = vector.extract_strided_slice %broadcast_in_dim3A_911 {offsets = [0, 7], sizes = [256, 1], strides = [1, 1]} : vector<256x8xf32> to vector<256x1xf32>
    %convert_element_type3A_994 = arith.extf %convert_element_type3A_904 : vector<256x128xbf16> to vector<256x128xf32>
    %mul3A_995 = vector.broadcast %slice3A_993 : vector<256x1xf32> to vector<256x128xf32>
    %mul3A_996 = arith.mulf %mul3A_995, %convert_element_type3A_994 : vector<256x128xf32>
    %add3A_997 = arith.addf %add3A_992, %mul3A_996 : vector<256x128xf32>
    %mul3A_998 = arith.mulf %broadcast_in_dim3A_909, %mul3A_915 : vector<256x8xf32>
    %mul3A_999 = arith.mulf %broadcast_in_dim3A_911, %mul3A_913 : vector<256x8xf32>
    %add3A_1000 = arith.addf %mul3A_998, %mul3A_999 : vector<256x8xf32>
    %mul3A_1001 = arith.mulf %broadcast_in_dim3A_911, %mul3A_915 : vector<256x8xf32>
    %mul3A_1002 = arith.mulf %broadcast_in_dim3A_909, %mul3A_913 : vector<256x8xf32>
    %sub3A_1003 = arith.subf %mul3A_1001, %mul3A_1002 : vector<256x8xf32>
    %mul3A_1004 = arith.mulf %add3A_997, %select_n3A : vector<256x128xf32>
    %broadcast_in_dim3A_1005 = arith.constant 0.000000e+00 : f32
    %broadcast_in_dim3A_1006 = vector.broadcast %broadcast_in_dim3A_1005 : f32 to vector<256x128xf32>
    %slice3A_1007 = vector.extract_strided_slice %add3A_1000 {offsets = [0, 0], sizes = [256, 1], strides = [1, 1]} : vector<256x8xf32> to vector<256x1xf32>
    %convert_element_type3A_1008 = arith.extf %convert_element_type3A_340 : vector<256x128xbf16> to vector<256x128xf32>
    %mul3A_1009 = vector.broadcast %slice3A_1007 : vector<256x1xf32> to vector<256x128xf32>
    %mul3A_1010 = arith.mulf %mul3A_1009, %convert_element_type3A_1008 : vector<256x128xf32>
    %add3A_1011 = arith.addf %broadcast_in_dim3A_1006, %mul3A_1010 : vector<256x128xf32>
    %slice3A_1012 = vector.extract_strided_slice %sub3A_1003 {offsets = [0, 0], sizes = [256, 1], strides = [1, 1]} : vector<256x8xf32> to vector<256x1xf32>
    %convert_element_type3A_1013 = arith.extf %convert_element_type3A_337 : vector<256x128xbf16> to vector<256x128xf32>
    %mul3A_1014 = vector.broadcast %slice3A_1012 : vector<256x1xf32> to vector<256x128xf32>
    %mul3A_1015 = arith.mulf %mul3A_1014, %convert_element_type3A_1013 : vector<256x128xf32>
    %add3A_1016 = arith.addf %add3A_1011, %mul3A_1015 : vector<256x128xf32>
    %slice3A_1017 = vector.extract_strided_slice %add3A_1000 {offsets = [0, 1], sizes = [256, 1], strides = [1, 1]} : vector<256x8xf32> to vector<256x1xf32>
    %convert_element_type3A_1018 = arith.extf %convert_element_type3A_421 : vector<256x128xbf16> to vector<256x128xf32>
    %mul3A_1019 = vector.broadcast %slice3A_1017 : vector<256x1xf32> to vector<256x128xf32>
    %mul3A_1020 = arith.mulf %mul3A_1019, %convert_element_type3A_1018 : vector<256x128xf32>
    %add3A_1021 = arith.addf %add3A_1016, %mul3A_1020 : vector<256x128xf32>
    %slice3A_1022 = vector.extract_strided_slice %sub3A_1003 {offsets = [0, 1], sizes = [256, 1], strides = [1, 1]} : vector<256x8xf32> to vector<256x1xf32>
    %convert_element_type3A_1023 = arith.extf %convert_element_type3A_418 : vector<256x128xbf16> to vector<256x128xf32>
    %mul3A_1024 = vector.broadcast %slice3A_1022 : vector<256x1xf32> to vector<256x128xf32>
    %mul3A_1025 = arith.mulf %mul3A_1024, %convert_element_type3A_1023 : vector<256x128xf32>
    %add3A_1026 = arith.addf %add3A_1021, %mul3A_1025 : vector<256x128xf32>
    %slice3A_1027 = vector.extract_strided_slice %add3A_1000 {offsets = [0, 2], sizes = [256, 1], strides = [1, 1]} : vector<256x8xf32> to vector<256x1xf32>
    %convert_element_type3A_1028 = arith.extf %convert_element_type3A_502 : vector<256x128xbf16> to vector<256x128xf32>
    %mul3A_1029 = vector.broadcast %slice3A_1027 : vector<256x1xf32> to vector<256x128xf32>
    %mul3A_1030 = arith.mulf %mul3A_1029, %convert_element_type3A_1028 : vector<256x128xf32>
    %add3A_1031 = arith.addf %add3A_1026, %mul3A_1030 : vector<256x128xf32>
    %slice3A_1032 = vector.extract_strided_slice %sub3A_1003 {offsets = [0, 2], sizes = [256, 1], strides = [1, 1]} : vector<256x8xf32> to vector<256x1xf32>
    %convert_element_type3A_1033 = arith.extf %convert_element_type3A_499 : vector<256x128xbf16> to vector<256x128xf32>
    %mul3A_1034 = vector.broadcast %slice3A_1032 : vector<256x1xf32> to vector<256x128xf32>
    %mul3A_1035 = arith.mulf %mul3A_1034, %convert_element_type3A_1033 : vector<256x128xf32>
    %add3A_1036 = arith.addf %add3A_1031, %mul3A_1035 : vector<256x128xf32>
    %slice3A_1037 = vector.extract_strided_slice %add3A_1000 {offsets = [0, 3], sizes = [256, 1], strides = [1, 1]} : vector<256x8xf32> to vector<256x1xf32>
    %convert_element_type3A_1038 = arith.extf %convert_element_type3A_583 : vector<256x128xbf16> to vector<256x128xf32>
    %mul3A_1039 = vector.broadcast %slice3A_1037 : vector<256x1xf32> to vector<256x128xf32>
    %mul3A_1040 = arith.mulf %mul3A_1039, %convert_element_type3A_1038 : vector<256x128xf32>
    %add3A_1041 = arith.addf %add3A_1036, %mul3A_1040 : vector<256x128xf32>
    %slice3A_1042 = vector.extract_strided_slice %sub3A_1003 {offsets = [0, 3], sizes = [256, 1], strides = [1, 1]} : vector<256x8xf32> to vector<256x1xf32>
    %convert_element_type3A_1043 = arith.extf %convert_element_type3A_580 : vector<256x128xbf16> to vector<256x128xf32>
    %mul3A_1044 = vector.broadcast %slice3A_1042 : vector<256x1xf32> to vector<256x128xf32>
    %mul3A_1045 = arith.mulf %mul3A_1044, %convert_element_type3A_1043 : vector<256x128xf32>
    %add3A_1046 = arith.addf %add3A_1041, %mul3A_1045 : vector<256x128xf32>
    %slice3A_1047 = vector.extract_strided_slice %add3A_1000 {offsets = [0, 4], sizes = [256, 1], strides = [1, 1]} : vector<256x8xf32> to vector<256x1xf32>
    %convert_element_type3A_1048 = arith.extf %convert_element_type3A_664 : vector<256x128xbf16> to vector<256x128xf32>
    %mul3A_1049 = vector.broadcast %slice3A_1047 : vector<256x1xf32> to vector<256x128xf32>
    %mul3A_1050 = arith.mulf %mul3A_1049, %convert_element_type3A_1048 : vector<256x128xf32>
    %add3A_1051 = arith.addf %add3A_1046, %mul3A_1050 : vector<256x128xf32>
    %slice3A_1052 = vector.extract_strided_slice %sub3A_1003 {offsets = [0, 4], sizes = [256, 1], strides = [1, 1]} : vector<256x8xf32> to vector<256x1xf32>
    %convert_element_type3A_1053 = arith.extf %convert_element_type3A_661 : vector<256x128xbf16> to vector<256x128xf32>
    %mul3A_1054 = vector.broadcast %slice3A_1052 : vector<256x1xf32> to vector<256x128xf32>
    %mul3A_1055 = arith.mulf %mul3A_1054, %convert_element_type3A_1053 : vector<256x128xf32>
    %add3A_1056 = arith.addf %add3A_1051, %mul3A_1055 : vector<256x128xf32>
    %slice3A_1057 = vector.extract_strided_slice %add3A_1000 {offsets = [0, 5], sizes = [256, 1], strides = [1, 1]} : vector<256x8xf32> to vector<256x1xf32>
    %convert_element_type3A_1058 = arith.extf %convert_element_type3A_745 : vector<256x128xbf16> to vector<256x128xf32>
    %mul3A_1059 = vector.broadcast %slice3A_1057 : vector<256x1xf32> to vector<256x128xf32>
    %mul3A_1060 = arith.mulf %mul3A_1059, %convert_element_type3A_1058 : vector<256x128xf32>
    %add3A_1061 = arith.addf %add3A_1056, %mul3A_1060 : vector<256x128xf32>
    %slice3A_1062 = vector.extract_strided_slice %sub3A_1003 {offsets = [0, 5], sizes = [256, 1], strides = [1, 1]} : vector<256x8xf32> to vector<256x1xf32>
    %convert_element_type3A_1063 = arith.extf %convert_element_type3A_742 : vector<256x128xbf16> to vector<256x128xf32>
    %mul3A_1064 = vector.broadcast %slice3A_1062 : vector<256x1xf32> to vector<256x128xf32>
    %mul3A_1065 = arith.mulf %mul3A_1064, %convert_element_type3A_1063 : vector<256x128xf32>
    %add3A_1066 = arith.addf %add3A_1061, %mul3A_1065 : vector<256x128xf32>
    %slice3A_1067 = vector.extract_strided_slice %add3A_1000 {offsets = [0, 6], sizes = [256, 1], strides = [1, 1]} : vector<256x8xf32> to vector<256x1xf32>
    %convert_element_type3A_1068 = arith.extf %convert_element_type3A_826 : vector<256x128xbf16> to vector<256x128xf32>
    %mul3A_1069 = vector.broadcast %slice3A_1067 : vector<256x1xf32> to vector<256x128xf32>
    %mul3A_1070 = arith.mulf %mul3A_1069, %convert_element_type3A_1068 : vector<256x128xf32>
    %add3A_1071 = arith.addf %add3A_1066, %mul3A_1070 : vector<256x128xf32>
    %slice3A_1072 = vector.extract_strided_slice %sub3A_1003 {offsets = [0, 6], sizes = [256, 1], strides = [1, 1]} : vector<256x8xf32> to vector<256x1xf32>
    %convert_element_type3A_1073 = arith.extf %convert_element_type3A_823 : vector<256x128xbf16> to vector<256x128xf32>
    %mul3A_1074 = vector.broadcast %slice3A_1072 : vector<256x1xf32> to vector<256x128xf32>
    %mul3A_1075 = arith.mulf %mul3A_1074, %convert_element_type3A_1073 : vector<256x128xf32>
    %add3A_1076 = arith.addf %add3A_1071, %mul3A_1075 : vector<256x128xf32>
    %slice3A_1077 = vector.extract_strided_slice %add3A_1000 {offsets = [0, 7], sizes = [256, 1], strides = [1, 1]} : vector<256x8xf32> to vector<256x1xf32>
    %convert_element_type3A_1078 = arith.extf %convert_element_type3A_907 : vector<256x128xbf16> to vector<256x128xf32>
    %mul3A_1079 = vector.broadcast %slice3A_1077 : vector<256x1xf32> to vector<256x128xf32>
    %mul3A_1080 = arith.mulf %mul3A_1079, %convert_element_type3A_1078 : vector<256x128xf32>
    %add3A_1081 = arith.addf %add3A_1076, %mul3A_1080 : vector<256x128xf32>
    %slice3A_1082 = vector.extract_strided_slice %sub3A_1003 {offsets = [0, 7], sizes = [256, 1], strides = [1, 1]} : vector<256x8xf32> to vector<256x1xf32>
    %convert_element_type3A_1083 = arith.extf %convert_element_type3A_904 : vector<256x128xbf16> to vector<256x128xf32>
    %mul3A_1084 = vector.broadcast %slice3A_1082 : vector<256x1xf32> to vector<256x128xf32>
    %mul3A_1085 = arith.mulf %mul3A_1084, %convert_element_type3A_1083 : vector<256x128xf32>
    %add3A_1086 = arith.addf %add3A_1081, %mul3A_1085 : vector<256x128xf32>
    %mul3A_1087 = arith.mulf %add3A_1000, %mul3A_915 : vector<256x8xf32>
    %mul3A_1088 = arith.mulf %sub3A_1003, %mul3A_913 : vector<256x8xf32>
    %add3A_1089 = arith.addf %mul3A_1087, %mul3A_1088 : vector<256x8xf32>
    %mul3A_1090 = arith.mulf %sub3A_1003, %mul3A_915 : vector<256x8xf32>
    %mul3A_1091 = arith.mulf %add3A_1000, %mul3A_913 : vector<256x8xf32>
    %sub3A_1092 = arith.subf %mul3A_1090, %mul3A_1091 : vector<256x8xf32>
    %mul3A_1093 = arith.mulf %add3A_1086, %select_n3A : vector<256x128xf32>
    %broadcast_in_dim3A_1094 = arith.constant 0.000000e+00 : f32
    %broadcast_in_dim3A_1095 = vector.broadcast %broadcast_in_dim3A_1094 : f32 to vector<256x128xf32>
    %slice3A_1096 = vector.extract_strided_slice %add3A_1089 {offsets = [0, 0], sizes = [256, 1], strides = [1, 1]} : vector<256x8xf32> to vector<256x1xf32>
    %convert_element_type3A_1097 = arith.extf %convert_element_type3A_340 : vector<256x128xbf16> to vector<256x128xf32>
    %mul3A_1098 = vector.broadcast %slice3A_1096 : vector<256x1xf32> to vector<256x128xf32>
    %mul3A_1099 = arith.mulf %mul3A_1098, %convert_element_type3A_1097 : vector<256x128xf32>
    %add3A_1100 = arith.addf %broadcast_in_dim3A_1095, %mul3A_1099 : vector<256x128xf32>
    %slice3A_1101 = vector.extract_strided_slice %sub3A_1092 {offsets = [0, 0], sizes = [256, 1], strides = [1, 1]} : vector<256x8xf32> to vector<256x1xf32>
    %convert_element_type3A_1102 = arith.extf %convert_element_type3A_337 : vector<256x128xbf16> to vector<256x128xf32>
    %mul3A_1103 = vector.broadcast %slice3A_1101 : vector<256x1xf32> to vector<256x128xf32>
    %mul3A_1104 = arith.mulf %mul3A_1103, %convert_element_type3A_1102 : vector<256x128xf32>
    %add3A_1105 = arith.addf %add3A_1100, %mul3A_1104 : vector<256x128xf32>
    %slice3A_1106 = vector.extract_strided_slice %add3A_1089 {offsets = [0, 1], sizes = [256, 1], strides = [1, 1]} : vector<256x8xf32> to vector<256x1xf32>
    %convert_element_type3A_1107 = arith.extf %convert_element_type3A_421 : vector<256x128xbf16> to vector<256x128xf32>
    %mul3A_1108 = vector.broadcast %slice3A_1106 : vector<256x1xf32> to vector<256x128xf32>
    %mul3A_1109 = arith.mulf %mul3A_1108, %convert_element_type3A_1107 : vector<256x128xf32>
    %add3A_1110 = arith.addf %add3A_1105, %mul3A_1109 : vector<256x128xf32>
    %slice3A_1111 = vector.extract_strided_slice %sub3A_1092 {offsets = [0, 1], sizes = [256, 1], strides = [1, 1]} : vector<256x8xf32> to vector<256x1xf32>
    %convert_element_type3A_1112 = arith.extf %convert_element_type3A_418 : vector<256x128xbf16> to vector<256x128xf32>
    %mul3A_1113 = vector.broadcast %slice3A_1111 : vector<256x1xf32> to vector<256x128xf32>
    %mul3A_1114 = arith.mulf %mul3A_1113, %convert_element_type3A_1112 : vector<256x128xf32>
    %add3A_1115 = arith.addf %add3A_1110, %mul3A_1114 : vector<256x128xf32>
    %slice3A_1116 = vector.extract_strided_slice %add3A_1089 {offsets = [0, 2], sizes = [256, 1], strides = [1, 1]} : vector<256x8xf32> to vector<256x1xf32>
    %convert_element_type3A_1117 = arith.extf %convert_element_type3A_502 : vector<256x128xbf16> to vector<256x128xf32>
    %mul3A_1118 = vector.broadcast %slice3A_1116 : vector<256x1xf32> to vector<256x128xf32>
    %mul3A_1119 = arith.mulf %mul3A_1118, %convert_element_type3A_1117 : vector<256x128xf32>
    %add3A_1120 = arith.addf %add3A_1115, %mul3A_1119 : vector<256x128xf32>
    %slice3A_1121 = vector.extract_strided_slice %sub3A_1092 {offsets = [0, 2], sizes = [256, 1], strides = [1, 1]} : vector<256x8xf32> to vector<256x1xf32>
    %convert_element_type3A_1122 = arith.extf %convert_element_type3A_499 : vector<256x128xbf16> to vector<256x128xf32>
    %mul3A_1123 = vector.broadcast %slice3A_1121 : vector<256x1xf32> to vector<256x128xf32>
    %mul3A_1124 = arith.mulf %mul3A_1123, %convert_element_type3A_1122 : vector<256x128xf32>
    %add3A_1125 = arith.addf %add3A_1120, %mul3A_1124 : vector<256x128xf32>
    %slice3A_1126 = vector.extract_strided_slice %add3A_1089 {offsets = [0, 3], sizes = [256, 1], strides = [1, 1]} : vector<256x8xf32> to vector<256x1xf32>
    %convert_element_type3A_1127 = arith.extf %convert_element_type3A_583 : vector<256x128xbf16> to vector<256x128xf32>
    %mul3A_1128 = vector.broadcast %slice3A_1126 : vector<256x1xf32> to vector<256x128xf32>
    %mul3A_1129 = arith.mulf %mul3A_1128, %convert_element_type3A_1127 : vector<256x128xf32>
    %add3A_1130 = arith.addf %add3A_1125, %mul3A_1129 : vector<256x128xf32>
    %slice3A_1131 = vector.extract_strided_slice %sub3A_1092 {offsets = [0, 3], sizes = [256, 1], strides = [1, 1]} : vector<256x8xf32> to vector<256x1xf32>
    %convert_element_type3A_1132 = arith.extf %convert_element_type3A_580 : vector<256x128xbf16> to vector<256x128xf32>
    %mul3A_1133 = vector.broadcast %slice3A_1131 : vector<256x1xf32> to vector<256x128xf32>
    %mul3A_1134 = arith.mulf %mul3A_1133, %convert_element_type3A_1132 : vector<256x128xf32>
    %add3A_1135 = arith.addf %add3A_1130, %mul3A_1134 : vector<256x128xf32>
    %slice3A_1136 = vector.extract_strided_slice %add3A_1089 {offsets = [0, 4], sizes = [256, 1], strides = [1, 1]} : vector<256x8xf32> to vector<256x1xf32>
    %convert_element_type3A_1137 = arith.extf %convert_element_type3A_664 : vector<256x128xbf16> to vector<256x128xf32>
    %mul3A_1138 = vector.broadcast %slice3A_1136 : vector<256x1xf32> to vector<256x128xf32>
    %mul3A_1139 = arith.mulf %mul3A_1138, %convert_element_type3A_1137 : vector<256x128xf32>
    %add3A_1140 = arith.addf %add3A_1135, %mul3A_1139 : vector<256x128xf32>
    %slice3A_1141 = vector.extract_strided_slice %sub3A_1092 {offsets = [0, 4], sizes = [256, 1], strides = [1, 1]} : vector<256x8xf32> to vector<256x1xf32>
    %convert_element_type3A_1142 = arith.extf %convert_element_type3A_661 : vector<256x128xbf16> to vector<256x128xf32>
    %mul3A_1143 = vector.broadcast %slice3A_1141 : vector<256x1xf32> to vector<256x128xf32>
    %mul3A_1144 = arith.mulf %mul3A_1143, %convert_element_type3A_1142 : vector<256x128xf32>
    %add3A_1145 = arith.addf %add3A_1140, %mul3A_1144 : vector<256x128xf32>
    %slice3A_1146 = vector.extract_strided_slice %add3A_1089 {offsets = [0, 5], sizes = [256, 1], strides = [1, 1]} : vector<256x8xf32> to vector<256x1xf32>
    %convert_element_type3A_1147 = arith.extf %convert_element_type3A_745 : vector<256x128xbf16> to vector<256x128xf32>
    %mul3A_1148 = vector.broadcast %slice3A_1146 : vector<256x1xf32> to vector<256x128xf32>
    %mul3A_1149 = arith.mulf %mul3A_1148, %convert_element_type3A_1147 : vector<256x128xf32>
    %add3A_1150 = arith.addf %add3A_1145, %mul3A_1149 : vector<256x128xf32>
    %slice3A_1151 = vector.extract_strided_slice %sub3A_1092 {offsets = [0, 5], sizes = [256, 1], strides = [1, 1]} : vector<256x8xf32> to vector<256x1xf32>
    %convert_element_type3A_1152 = arith.extf %convert_element_type3A_742 : vector<256x128xbf16> to vector<256x128xf32>
    %mul3A_1153 = vector.broadcast %slice3A_1151 : vector<256x1xf32> to vector<256x128xf32>
    %mul3A_1154 = arith.mulf %mul3A_1153, %convert_element_type3A_1152 : vector<256x128xf32>
    %add3A_1155 = arith.addf %add3A_1150, %mul3A_1154 : vector<256x128xf32>
    %slice3A_1156 = vector.extract_strided_slice %add3A_1089 {offsets = [0, 6], sizes = [256, 1], strides = [1, 1]} : vector<256x8xf32> to vector<256x1xf32>
    %convert_element_type3A_1157 = arith.extf %convert_element_type3A_826 : vector<256x128xbf16> to vector<256x128xf32>
    %mul3A_1158 = vector.broadcast %slice3A_1156 : vector<256x1xf32> to vector<256x128xf32>
    %mul3A_1159 = arith.mulf %mul3A_1158, %convert_element_type3A_1157 : vector<256x128xf32>
    %add3A_1160 = arith.addf %add3A_1155, %mul3A_1159 : vector<256x128xf32>
    %slice3A_1161 = vector.extract_strided_slice %sub3A_1092 {offsets = [0, 6], sizes = [256, 1], strides = [1, 1]} : vector<256x8xf32> to vector<256x1xf32>
    %convert_element_type3A_1162 = arith.extf %convert_element_type3A_823 : vector<256x128xbf16> to vector<256x128xf32>
    %mul3A_1163 = vector.broadcast %slice3A_1161 : vector<256x1xf32> to vector<256x128xf32>
    %mul3A_1164 = arith.mulf %mul3A_1163, %convert_element_type3A_1162 : vector<256x128xf32>
    %add3A_1165 = arith.addf %add3A_1160, %mul3A_1164 : vector<256x128xf32>
    %slice3A_1166 = vector.extract_strided_slice %add3A_1089 {offsets = [0, 7], sizes = [256, 1], strides = [1, 1]} : vector<256x8xf32> to vector<256x1xf32>
    %convert_element_type3A_1167 = arith.extf %convert_element_type3A_907 : vector<256x128xbf16> to vector<256x128xf32>
    %mul3A_1168 = vector.broadcast %slice3A_1166 : vector<256x1xf32> to vector<256x128xf32>
    %mul3A_1169 = arith.mulf %mul3A_1168, %convert_element_type3A_1167 : vector<256x128xf32>
    %add3A_1170 = arith.addf %add3A_1165, %mul3A_1169 : vector<256x128xf32>
    %slice3A_1171 = vector.extract_strided_slice %sub3A_1092 {offsets = [0, 7], sizes = [256, 1], strides = [1, 1]} : vector<256x8xf32> to vector<256x1xf32>
    %convert_element_type3A_1172 = arith.extf %convert_element_type3A_904 : vector<256x128xbf16> to vector<256x128xf32>
    %mul3A_1173 = vector.broadcast %slice3A_1171 : vector<256x1xf32> to vector<256x128xf32>
    %mul3A_1174 = arith.mulf %mul3A_1173, %convert_element_type3A_1172 : vector<256x128xf32>
    %add3A_1175 = arith.addf %add3A_1170, %mul3A_1174 : vector<256x128xf32>
    %mul3A_1176 = arith.mulf %add3A_1089, %mul3A_915 : vector<256x8xf32>
    %mul3A_1177 = arith.mulf %sub3A_1092, %mul3A_913 : vector<256x8xf32>
    %add3A_1178 = arith.addf %mul3A_1176, %mul3A_1177 : vector<256x8xf32>
    %mul3A_1179 = arith.mulf %sub3A_1092, %mul3A_915 : vector<256x8xf32>
    %mul3A_1180 = arith.mulf %add3A_1089, %mul3A_913 : vector<256x8xf32>
    %sub3A_1181 = arith.subf %mul3A_1179, %mul3A_1180 : vector<256x8xf32>
    %mul3A_1182 = arith.mulf %add3A_1175, %select_n3A : vector<256x128xf32>
    %broadcast_in_dim3A_1183 = arith.constant 0.000000e+00 : f32
    %broadcast_in_dim3A_1184 = vector.broadcast %broadcast_in_dim3A_1183 : f32 to vector<256x128xf32>
    %slice3A_1185 = vector.extract_strided_slice %add3A_1178 {offsets = [0, 0], sizes = [256, 1], strides = [1, 1]} : vector<256x8xf32> to vector<256x1xf32>
    %convert_element_type3A_1186 = arith.extf %convert_element_type3A_340 : vector<256x128xbf16> to vector<256x128xf32>
    %mul3A_1187 = vector.broadcast %slice3A_1185 : vector<256x1xf32> to vector<256x128xf32>
    %mul3A_1188 = arith.mulf %mul3A_1187, %convert_element_type3A_1186 : vector<256x128xf32>
    %add3A_1189 = arith.addf %broadcast_in_dim3A_1184, %mul3A_1188 : vector<256x128xf32>
    %slice3A_1190 = vector.extract_strided_slice %sub3A_1181 {offsets = [0, 0], sizes = [256, 1], strides = [1, 1]} : vector<256x8xf32> to vector<256x1xf32>
    %convert_element_type3A_1191 = arith.extf %convert_element_type3A_337 : vector<256x128xbf16> to vector<256x128xf32>
    %mul3A_1192 = vector.broadcast %slice3A_1190 : vector<256x1xf32> to vector<256x128xf32>
    %mul3A_1193 = arith.mulf %mul3A_1192, %convert_element_type3A_1191 : vector<256x128xf32>
    %add3A_1194 = arith.addf %add3A_1189, %mul3A_1193 : vector<256x128xf32>
    %slice3A_1195 = vector.extract_strided_slice %add3A_1178 {offsets = [0, 1], sizes = [256, 1], strides = [1, 1]} : vector<256x8xf32> to vector<256x1xf32>
    %convert_element_type3A_1196 = arith.extf %convert_element_type3A_421 : vector<256x128xbf16> to vector<256x128xf32>
    %mul3A_1197 = vector.broadcast %slice3A_1195 : vector<256x1xf32> to vector<256x128xf32>
    %mul3A_1198 = arith.mulf %mul3A_1197, %convert_element_type3A_1196 : vector<256x128xf32>
    %add3A_1199 = arith.addf %add3A_1194, %mul3A_1198 : vector<256x128xf32>
    %slice3A_1200 = vector.extract_strided_slice %sub3A_1181 {offsets = [0, 1], sizes = [256, 1], strides = [1, 1]} : vector<256x8xf32> to vector<256x1xf32>
    %convert_element_type3A_1201 = arith.extf %convert_element_type3A_418 : vector<256x128xbf16> to vector<256x128xf32>
    %mul3A_1202 = vector.broadcast %slice3A_1200 : vector<256x1xf32> to vector<256x128xf32>
    %mul3A_1203 = arith.mulf %mul3A_1202, %convert_element_type3A_1201 : vector<256x128xf32>
    %add3A_1204 = arith.addf %add3A_1199, %mul3A_1203 : vector<256x128xf32>
    %slice3A_1205 = vector.extract_strided_slice %add3A_1178 {offsets = [0, 2], sizes = [256, 1], strides = [1, 1]} : vector<256x8xf32> to vector<256x1xf32>
    %convert_element_type3A_1206 = arith.extf %convert_element_type3A_502 : vector<256x128xbf16> to vector<256x128xf32>
    %mul3A_1207 = vector.broadcast %slice3A_1205 : vector<256x1xf32> to vector<256x128xf32>
    %mul3A_1208 = arith.mulf %mul3A_1207, %convert_element_type3A_1206 : vector<256x128xf32>
    %add3A_1209 = arith.addf %add3A_1204, %mul3A_1208 : vector<256x128xf32>
    %slice3A_1210 = vector.extract_strided_slice %sub3A_1181 {offsets = [0, 2], sizes = [256, 1], strides = [1, 1]} : vector<256x8xf32> to vector<256x1xf32>
    %convert_element_type3A_1211 = arith.extf %convert_element_type3A_499 : vector<256x128xbf16> to vector<256x128xf32>
    %mul3A_1212 = vector.broadcast %slice3A_1210 : vector<256x1xf32> to vector<256x128xf32>
    %mul3A_1213 = arith.mulf %mul3A_1212, %convert_element_type3A_1211 : vector<256x128xf32>
    %add3A_1214 = arith.addf %add3A_1209, %mul3A_1213 : vector<256x128xf32>
    %slice3A_1215 = vector.extract_strided_slice %add3A_1178 {offsets = [0, 3], sizes = [256, 1], strides = [1, 1]} : vector<256x8xf32> to vector<256x1xf32>
    %convert_element_type3A_1216 = arith.extf %convert_element_type3A_583 : vector<256x128xbf16> to vector<256x128xf32>
    %mul3A_1217 = vector.broadcast %slice3A_1215 : vector<256x1xf32> to vector<256x128xf32>
    %mul3A_1218 = arith.mulf %mul3A_1217, %convert_element_type3A_1216 : vector<256x128xf32>
    %add3A_1219 = arith.addf %add3A_1214, %mul3A_1218 : vector<256x128xf32>
    %slice3A_1220 = vector.extract_strided_slice %sub3A_1181 {offsets = [0, 3], sizes = [256, 1], strides = [1, 1]} : vector<256x8xf32> to vector<256x1xf32>
    %convert_element_type3A_1221 = arith.extf %convert_element_type3A_580 : vector<256x128xbf16> to vector<256x128xf32>
    %mul3A_1222 = vector.broadcast %slice3A_1220 : vector<256x1xf32> to vector<256x128xf32>
    %mul3A_1223 = arith.mulf %mul3A_1222, %convert_element_type3A_1221 : vector<256x128xf32>
    %add3A_1224 = arith.addf %add3A_1219, %mul3A_1223 : vector<256x128xf32>
    %slice3A_1225 = vector.extract_strided_slice %add3A_1178 {offsets = [0, 4], sizes = [256, 1], strides = [1, 1]} : vector<256x8xf32> to vector<256x1xf32>
    %convert_element_type3A_1226 = arith.extf %convert_element_type3A_664 : vector<256x128xbf16> to vector<256x128xf32>
    %mul3A_1227 = vector.broadcast %slice3A_1225 : vector<256x1xf32> to vector<256x128xf32>
    %mul3A_1228 = arith.mulf %mul3A_1227, %convert_element_type3A_1226 : vector<256x128xf32>
    %add3A_1229 = arith.addf %add3A_1224, %mul3A_1228 : vector<256x128xf32>
    %slice3A_1230 = vector.extract_strided_slice %sub3A_1181 {offsets = [0, 4], sizes = [256, 1], strides = [1, 1]} : vector<256x8xf32> to vector<256x1xf32>
    %convert_element_type3A_1231 = arith.extf %convert_element_type3A_661 : vector<256x128xbf16> to vector<256x128xf32>
    %mul3A_1232 = vector.broadcast %slice3A_1230 : vector<256x1xf32> to vector<256x128xf32>
    %mul3A_1233 = arith.mulf %mul3A_1232, %convert_element_type3A_1231 : vector<256x128xf32>
    %add3A_1234 = arith.addf %add3A_1229, %mul3A_1233 : vector<256x128xf32>
    %slice3A_1235 = vector.extract_strided_slice %add3A_1178 {offsets = [0, 5], sizes = [256, 1], strides = [1, 1]} : vector<256x8xf32> to vector<256x1xf32>
    %convert_element_type3A_1236 = arith.extf %convert_element_type3A_745 : vector<256x128xbf16> to vector<256x128xf32>
    %mul3A_1237 = vector.broadcast %slice3A_1235 : vector<256x1xf32> to vector<256x128xf32>
    %mul3A_1238 = arith.mulf %mul3A_1237, %convert_element_type3A_1236 : vector<256x128xf32>
    %add3A_1239 = arith.addf %add3A_1234, %mul3A_1238 : vector<256x128xf32>
    %slice3A_1240 = vector.extract_strided_slice %sub3A_1181 {offsets = [0, 5], sizes = [256, 1], strides = [1, 1]} : vector<256x8xf32> to vector<256x1xf32>
    %convert_element_type3A_1241 = arith.extf %convert_element_type3A_742 : vector<256x128xbf16> to vector<256x128xf32>
    %mul3A_1242 = vector.broadcast %slice3A_1240 : vector<256x1xf32> to vector<256x128xf32>
    %mul3A_1243 = arith.mulf %mul3A_1242, %convert_element_type3A_1241 : vector<256x128xf32>
    %add3A_1244 = arith.addf %add3A_1239, %mul3A_1243 : vector<256x128xf32>
    %slice3A_1245 = vector.extract_strided_slice %add3A_1178 {offsets = [0, 6], sizes = [256, 1], strides = [1, 1]} : vector<256x8xf32> to vector<256x1xf32>
    %convert_element_type3A_1246 = arith.extf %convert_element_type3A_826 : vector<256x128xbf16> to vector<256x128xf32>
    %mul3A_1247 = vector.broadcast %slice3A_1245 : vector<256x1xf32> to vector<256x128xf32>
    %mul3A_1248 = arith.mulf %mul3A_1247, %convert_element_type3A_1246 : vector<256x128xf32>
    %add3A_1249 = arith.addf %add3A_1244, %mul3A_1248 : vector<256x128xf32>
    %slice3A_1250 = vector.extract_strided_slice %sub3A_1181 {offsets = [0, 6], sizes = [256, 1], strides = [1, 1]} : vector<256x8xf32> to vector<256x1xf32>
    %convert_element_type3A_1251 = arith.extf %convert_element_type3A_823 : vector<256x128xbf16> to vector<256x128xf32>
    %mul3A_1252 = vector.broadcast %slice3A_1250 : vector<256x1xf32> to vector<256x128xf32>
    %mul3A_1253 = arith.mulf %mul3A_1252, %convert_element_type3A_1251 : vector<256x128xf32>
    %add3A_1254 = arith.addf %add3A_1249, %mul3A_1253 : vector<256x128xf32>
    %slice3A_1255 = vector.extract_strided_slice %add3A_1178 {offsets = [0, 7], sizes = [256, 1], strides = [1, 1]} : vector<256x8xf32> to vector<256x1xf32>
    %convert_element_type3A_1256 = arith.extf %convert_element_type3A_907 : vector<256x128xbf16> to vector<256x128xf32>
    %mul3A_1257 = vector.broadcast %slice3A_1255 : vector<256x1xf32> to vector<256x128xf32>
    %mul3A_1258 = arith.mulf %mul3A_1257, %convert_element_type3A_1256 : vector<256x128xf32>
    %add3A_1259 = arith.addf %add3A_1254, %mul3A_1258 : vector<256x128xf32>
    %slice3A_1260 = vector.extract_strided_slice %sub3A_1181 {offsets = [0, 7], sizes = [256, 1], strides = [1, 1]} : vector<256x8xf32> to vector<256x1xf32>
    %convert_element_type3A_1261 = arith.extf %convert_element_type3A_904 : vector<256x128xbf16> to vector<256x128xf32>
    %mul3A_1262 = vector.broadcast %slice3A_1260 : vector<256x1xf32> to vector<256x128xf32>
    %mul3A_1263 = arith.mulf %mul3A_1262, %convert_element_type3A_1261 : vector<256x128xf32>
    %add3A_1264 = arith.addf %add3A_1259, %mul3A_1263 : vector<256x128xf32>
    %mul3A_1265 = arith.mulf %add3A_1178, %mul3A_915 : vector<256x8xf32>
    %mul3A_1266 = arith.mulf %sub3A_1181, %mul3A_913 : vector<256x8xf32>
    %add3A_1267 = arith.addf %mul3A_1265, %mul3A_1266 : vector<256x8xf32>
    %mul3A_1268 = arith.mulf %sub3A_1181, %mul3A_915 : vector<256x8xf32>
    %mul3A_1269 = arith.mulf %add3A_1178, %mul3A_913 : vector<256x8xf32>
    %sub3A_1270 = arith.subf %mul3A_1268, %mul3A_1269 : vector<256x8xf32>
    %mul3A_1271 = arith.mulf %add3A_1264, %select_n3A : vector<256x128xf32>
    %broadcast_in_dim3A_1272 = arith.constant 0.000000e+00 : f32
    %broadcast_in_dim3A_1273 = vector.broadcast %broadcast_in_dim3A_1272 : f32 to vector<256x128xf32>
    %slice3A_1274 = vector.extract_strided_slice %add3A_1267 {offsets = [0, 0], sizes = [256, 1], strides = [1, 1]} : vector<256x8xf32> to vector<256x1xf32>
    %convert_element_type3A_1275 = arith.extf %convert_element_type3A_340 : vector<256x128xbf16> to vector<256x128xf32>
    %mul3A_1276 = vector.broadcast %slice3A_1274 : vector<256x1xf32> to vector<256x128xf32>
    %mul3A_1277 = arith.mulf %mul3A_1276, %convert_element_type3A_1275 : vector<256x128xf32>
    %add3A_1278 = arith.addf %broadcast_in_dim3A_1273, %mul3A_1277 : vector<256x128xf32>
    %slice3A_1279 = vector.extract_strided_slice %sub3A_1270 {offsets = [0, 0], sizes = [256, 1], strides = [1, 1]} : vector<256x8xf32> to vector<256x1xf32>
    %convert_element_type3A_1280 = arith.extf %convert_element_type3A_337 : vector<256x128xbf16> to vector<256x128xf32>
    %mul3A_1281 = vector.broadcast %slice3A_1279 : vector<256x1xf32> to vector<256x128xf32>
    %mul3A_1282 = arith.mulf %mul3A_1281, %convert_element_type3A_1280 : vector<256x128xf32>
    %add3A_1283 = arith.addf %add3A_1278, %mul3A_1282 : vector<256x128xf32>
    %slice3A_1284 = vector.extract_strided_slice %add3A_1267 {offsets = [0, 1], sizes = [256, 1], strides = [1, 1]} : vector<256x8xf32> to vector<256x1xf32>
    %convert_element_type3A_1285 = arith.extf %convert_element_type3A_421 : vector<256x128xbf16> to vector<256x128xf32>
    %mul3A_1286 = vector.broadcast %slice3A_1284 : vector<256x1xf32> to vector<256x128xf32>
    %mul3A_1287 = arith.mulf %mul3A_1286, %convert_element_type3A_1285 : vector<256x128xf32>
    %add3A_1288 = arith.addf %add3A_1283, %mul3A_1287 : vector<256x128xf32>
    %slice3A_1289 = vector.extract_strided_slice %sub3A_1270 {offsets = [0, 1], sizes = [256, 1], strides = [1, 1]} : vector<256x8xf32> to vector<256x1xf32>
    %convert_element_type3A_1290 = arith.extf %convert_element_type3A_418 : vector<256x128xbf16> to vector<256x128xf32>
    %mul3A_1291 = vector.broadcast %slice3A_1289 : vector<256x1xf32> to vector<256x128xf32>
    %mul3A_1292 = arith.mulf %mul3A_1291, %convert_element_type3A_1290 : vector<256x128xf32>
    %add3A_1293 = arith.addf %add3A_1288, %mul3A_1292 : vector<256x128xf32>
    %slice3A_1294 = vector.extract_strided_slice %add3A_1267 {offsets = [0, 2], sizes = [256, 1], strides = [1, 1]} : vector<256x8xf32> to vector<256x1xf32>
    %convert_element_type3A_1295 = arith.extf %convert_element_type3A_502 : vector<256x128xbf16> to vector<256x128xf32>
    %mul3A_1296 = vector.broadcast %slice3A_1294 : vector<256x1xf32> to vector<256x128xf32>
    %mul3A_1297 = arith.mulf %mul3A_1296, %convert_element_type3A_1295 : vector<256x128xf32>
    %add3A_1298 = arith.addf %add3A_1293, %mul3A_1297 : vector<256x128xf32>
    %slice3A_1299 = vector.extract_strided_slice %sub3A_1270 {offsets = [0, 2], sizes = [256, 1], strides = [1, 1]} : vector<256x8xf32> to vector<256x1xf32>
    %convert_element_type3A_1300 = arith.extf %convert_element_type3A_499 : vector<256x128xbf16> to vector<256x128xf32>
    %mul3A_1301 = vector.broadcast %slice3A_1299 : vector<256x1xf32> to vector<256x128xf32>
    %mul3A_1302 = arith.mulf %mul3A_1301, %convert_element_type3A_1300 : vector<256x128xf32>
    %add3A_1303 = arith.addf %add3A_1298, %mul3A_1302 : vector<256x128xf32>
    %slice3A_1304 = vector.extract_strided_slice %add3A_1267 {offsets = [0, 3], sizes = [256, 1], strides = [1, 1]} : vector<256x8xf32> to vector<256x1xf32>
    %convert_element_type3A_1305 = arith.extf %convert_element_type3A_583 : vector<256x128xbf16> to vector<256x128xf32>
    %mul3A_1306 = vector.broadcast %slice3A_1304 : vector<256x1xf32> to vector<256x128xf32>
    %mul3A_1307 = arith.mulf %mul3A_1306, %convert_element_type3A_1305 : vector<256x128xf32>
    %add3A_1308 = arith.addf %add3A_1303, %mul3A_1307 : vector<256x128xf32>
    %slice3A_1309 = vector.extract_strided_slice %sub3A_1270 {offsets = [0, 3], sizes = [256, 1], strides = [1, 1]} : vector<256x8xf32> to vector<256x1xf32>
    %convert_element_type3A_1310 = arith.extf %convert_element_type3A_580 : vector<256x128xbf16> to vector<256x128xf32>
    %mul3A_1311 = vector.broadcast %slice3A_1309 : vector<256x1xf32> to vector<256x128xf32>
    %mul3A_1312 = arith.mulf %mul3A_1311, %convert_element_type3A_1310 : vector<256x128xf32>
    %add3A_1313 = arith.addf %add3A_1308, %mul3A_1312 : vector<256x128xf32>
    %slice3A_1314 = vector.extract_strided_slice %add3A_1267 {offsets = [0, 4], sizes = [256, 1], strides = [1, 1]} : vector<256x8xf32> to vector<256x1xf32>
    %convert_element_type3A_1315 = arith.extf %convert_element_type3A_664 : vector<256x128xbf16> to vector<256x128xf32>
    %mul3A_1316 = vector.broadcast %slice3A_1314 : vector<256x1xf32> to vector<256x128xf32>
    %mul3A_1317 = arith.mulf %mul3A_1316, %convert_element_type3A_1315 : vector<256x128xf32>
    %add3A_1318 = arith.addf %add3A_1313, %mul3A_1317 : vector<256x128xf32>
    %slice3A_1319 = vector.extract_strided_slice %sub3A_1270 {offsets = [0, 4], sizes = [256, 1], strides = [1, 1]} : vector<256x8xf32> to vector<256x1xf32>
    %convert_element_type3A_1320 = arith.extf %convert_element_type3A_661 : vector<256x128xbf16> to vector<256x128xf32>
    %mul3A_1321 = vector.broadcast %slice3A_1319 : vector<256x1xf32> to vector<256x128xf32>
    %mul3A_1322 = arith.mulf %mul3A_1321, %convert_element_type3A_1320 : vector<256x128xf32>
    %add3A_1323 = arith.addf %add3A_1318, %mul3A_1322 : vector<256x128xf32>
    %slice3A_1324 = vector.extract_strided_slice %add3A_1267 {offsets = [0, 5], sizes = [256, 1], strides = [1, 1]} : vector<256x8xf32> to vector<256x1xf32>
    %convert_element_type3A_1325 = arith.extf %convert_element_type3A_745 : vector<256x128xbf16> to vector<256x128xf32>
    %mul3A_1326 = vector.broadcast %slice3A_1324 : vector<256x1xf32> to vector<256x128xf32>
    %mul3A_1327 = arith.mulf %mul3A_1326, %convert_element_type3A_1325 : vector<256x128xf32>
    %add3A_1328 = arith.addf %add3A_1323, %mul3A_1327 : vector<256x128xf32>
    %slice3A_1329 = vector.extract_strided_slice %sub3A_1270 {offsets = [0, 5], sizes = [256, 1], strides = [1, 1]} : vector<256x8xf32> to vector<256x1xf32>
    %convert_element_type3A_1330 = arith.extf %convert_element_type3A_742 : vector<256x128xbf16> to vector<256x128xf32>
    %mul3A_1331 = vector.broadcast %slice3A_1329 : vector<256x1xf32> to vector<256x128xf32>
    %mul3A_1332 = arith.mulf %mul3A_1331, %convert_element_type3A_1330 : vector<256x128xf32>
    %add3A_1333 = arith.addf %add3A_1328, %mul3A_1332 : vector<256x128xf32>
    %slice3A_1334 = vector.extract_strided_slice %add3A_1267 {offsets = [0, 6], sizes = [256, 1], strides = [1, 1]} : vector<256x8xf32> to vector<256x1xf32>
    %convert_element_type3A_1335 = arith.extf %convert_element_type3A_826 : vector<256x128xbf16> to vector<256x128xf32>
    %mul3A_1336 = vector.broadcast %slice3A_1334 : vector<256x1xf32> to vector<256x128xf32>
    %mul3A_1337 = arith.mulf %mul3A_1336, %convert_element_type3A_1335 : vector<256x128xf32>
    %add3A_1338 = arith.addf %add3A_1333, %mul3A_1337 : vector<256x128xf32>
    %slice3A_1339 = vector.extract_strided_slice %sub3A_1270 {offsets = [0, 6], sizes = [256, 1], strides = [1, 1]} : vector<256x8xf32> to vector<256x1xf32>
    %convert_element_type3A_1340 = arith.extf %convert_element_type3A_823 : vector<256x128xbf16> to vector<256x128xf32>
    %mul3A_1341 = vector.broadcast %slice3A_1339 : vector<256x1xf32> to vector<256x128xf32>
    %mul3A_1342 = arith.mulf %mul3A_1341, %convert_element_type3A_1340 : vector<256x128xf32>
    %add3A_1343 = arith.addf %add3A_1338, %mul3A_1342 : vector<256x128xf32>
    %slice3A_1344 = vector.extract_strided_slice %add3A_1267 {offsets = [0, 7], sizes = [256, 1], strides = [1, 1]} : vector<256x8xf32> to vector<256x1xf32>
    %convert_element_type3A_1345 = arith.extf %convert_element_type3A_907 : vector<256x128xbf16> to vector<256x128xf32>
    %mul3A_1346 = vector.broadcast %slice3A_1344 : vector<256x1xf32> to vector<256x128xf32>
    %mul3A_1347 = arith.mulf %mul3A_1346, %convert_element_type3A_1345 : vector<256x128xf32>
    %add3A_1348 = arith.addf %add3A_1343, %mul3A_1347 : vector<256x128xf32>
    %slice3A_1349 = vector.extract_strided_slice %sub3A_1270 {offsets = [0, 7], sizes = [256, 1], strides = [1, 1]} : vector<256x8xf32> to vector<256x1xf32>
    %convert_element_type3A_1350 = arith.extf %convert_element_type3A_904 : vector<256x128xbf16> to vector<256x128xf32>
    %mul3A_1351 = vector.broadcast %slice3A_1349 : vector<256x1xf32> to vector<256x128xf32>
    %mul3A_1352 = arith.mulf %mul3A_1351, %convert_element_type3A_1350 : vector<256x128xf32>
    %add3A_1353 = arith.addf %add3A_1348, %mul3A_1352 : vector<256x128xf32>
    %mul3A_1354 = arith.mulf %add3A_1267, %mul3A_915 : vector<256x8xf32>
    %mul3A_1355 = arith.mulf %sub3A_1270, %mul3A_913 : vector<256x8xf32>
    %add3A_1356 = arith.addf %mul3A_1354, %mul3A_1355 : vector<256x8xf32>
    %mul3A_1357 = arith.mulf %sub3A_1270, %mul3A_915 : vector<256x8xf32>
    %mul3A_1358 = arith.mulf %add3A_1267, %mul3A_913 : vector<256x8xf32>
    %sub3A_1359 = arith.subf %mul3A_1357, %mul3A_1358 : vector<256x8xf32>
    %mul3A_1360 = arith.mulf %add3A_1353, %select_n3A : vector<256x128xf32>
    %broadcast_in_dim3A_1361 = arith.constant 0.000000e+00 : f32
    %broadcast_in_dim3A_1362 = vector.broadcast %broadcast_in_dim3A_1361 : f32 to vector<256x128xf32>
    %slice3A_1363 = vector.extract_strided_slice %add3A_1356 {offsets = [0, 0], sizes = [256, 1], strides = [1, 1]} : vector<256x8xf32> to vector<256x1xf32>
    %convert_element_type3A_1364 = arith.extf %convert_element_type3A_340 : vector<256x128xbf16> to vector<256x128xf32>
    %mul3A_1365 = vector.broadcast %slice3A_1363 : vector<256x1xf32> to vector<256x128xf32>
    %mul3A_1366 = arith.mulf %mul3A_1365, %convert_element_type3A_1364 : vector<256x128xf32>
    %add3A_1367 = arith.addf %broadcast_in_dim3A_1362, %mul3A_1366 : vector<256x128xf32>
    %slice3A_1368 = vector.extract_strided_slice %sub3A_1359 {offsets = [0, 0], sizes = [256, 1], strides = [1, 1]} : vector<256x8xf32> to vector<256x1xf32>
    %convert_element_type3A_1369 = arith.extf %convert_element_type3A_337 : vector<256x128xbf16> to vector<256x128xf32>
    %mul3A_1370 = vector.broadcast %slice3A_1368 : vector<256x1xf32> to vector<256x128xf32>
    %mul3A_1371 = arith.mulf %mul3A_1370, %convert_element_type3A_1369 : vector<256x128xf32>
    %add3A_1372 = arith.addf %add3A_1367, %mul3A_1371 : vector<256x128xf32>
    %slice3A_1373 = vector.extract_strided_slice %add3A_1356 {offsets = [0, 1], sizes = [256, 1], strides = [1, 1]} : vector<256x8xf32> to vector<256x1xf32>
    %convert_element_type3A_1374 = arith.extf %convert_element_type3A_421 : vector<256x128xbf16> to vector<256x128xf32>
    %mul3A_1375 = vector.broadcast %slice3A_1373 : vector<256x1xf32> to vector<256x128xf32>
    %mul3A_1376 = arith.mulf %mul3A_1375, %convert_element_type3A_1374 : vector<256x128xf32>
    %add3A_1377 = arith.addf %add3A_1372, %mul3A_1376 : vector<256x128xf32>
    %slice3A_1378 = vector.extract_strided_slice %sub3A_1359 {offsets = [0, 1], sizes = [256, 1], strides = [1, 1]} : vector<256x8xf32> to vector<256x1xf32>
    %convert_element_type3A_1379 = arith.extf %convert_element_type3A_418 : vector<256x128xbf16> to vector<256x128xf32>
    %mul3A_1380 = vector.broadcast %slice3A_1378 : vector<256x1xf32> to vector<256x128xf32>
    %mul3A_1381 = arith.mulf %mul3A_1380, %convert_element_type3A_1379 : vector<256x128xf32>
    %add3A_1382 = arith.addf %add3A_1377, %mul3A_1381 : vector<256x128xf32>
    %slice3A_1383 = vector.extract_strided_slice %add3A_1356 {offsets = [0, 2], sizes = [256, 1], strides = [1, 1]} : vector<256x8xf32> to vector<256x1xf32>
    %convert_element_type3A_1384 = arith.extf %convert_element_type3A_502 : vector<256x128xbf16> to vector<256x128xf32>
    %mul3A_1385 = vector.broadcast %slice3A_1383 : vector<256x1xf32> to vector<256x128xf32>
    %mul3A_1386 = arith.mulf %mul3A_1385, %convert_element_type3A_1384 : vector<256x128xf32>
    %add3A_1387 = arith.addf %add3A_1382, %mul3A_1386 : vector<256x128xf32>
    %slice3A_1388 = vector.extract_strided_slice %sub3A_1359 {offsets = [0, 2], sizes = [256, 1], strides = [1, 1]} : vector<256x8xf32> to vector<256x1xf32>
    %convert_element_type3A_1389 = arith.extf %convert_element_type3A_499 : vector<256x128xbf16> to vector<256x128xf32>
    %mul3A_1390 = vector.broadcast %slice3A_1388 : vector<256x1xf32> to vector<256x128xf32>
    %mul3A_1391 = arith.mulf %mul3A_1390, %convert_element_type3A_1389 : vector<256x128xf32>
    %add3A_1392 = arith.addf %add3A_1387, %mul3A_1391 : vector<256x128xf32>
    %slice3A_1393 = vector.extract_strided_slice %add3A_1356 {offsets = [0, 3], sizes = [256, 1], strides = [1, 1]} : vector<256x8xf32> to vector<256x1xf32>
    %convert_element_type3A_1394 = arith.extf %convert_element_type3A_583 : vector<256x128xbf16> to vector<256x128xf32>
    %mul3A_1395 = vector.broadcast %slice3A_1393 : vector<256x1xf32> to vector<256x128xf32>
    %mul3A_1396 = arith.mulf %mul3A_1395, %convert_element_type3A_1394 : vector<256x128xf32>
    %add3A_1397 = arith.addf %add3A_1392, %mul3A_1396 : vector<256x128xf32>
    %slice3A_1398 = vector.extract_strided_slice %sub3A_1359 {offsets = [0, 3], sizes = [256, 1], strides = [1, 1]} : vector<256x8xf32> to vector<256x1xf32>
    %convert_element_type3A_1399 = arith.extf %convert_element_type3A_580 : vector<256x128xbf16> to vector<256x128xf32>
    %mul3A_1400 = vector.broadcast %slice3A_1398 : vector<256x1xf32> to vector<256x128xf32>
    %mul3A_1401 = arith.mulf %mul3A_1400, %convert_element_type3A_1399 : vector<256x128xf32>
    %add3A_1402 = arith.addf %add3A_1397, %mul3A_1401 : vector<256x128xf32>
    %slice3A_1403 = vector.extract_strided_slice %add3A_1356 {offsets = [0, 4], sizes = [256, 1], strides = [1, 1]} : vector<256x8xf32> to vector<256x1xf32>
    %convert_element_type3A_1404 = arith.extf %convert_element_type3A_664 : vector<256x128xbf16> to vector<256x128xf32>
    %mul3A_1405 = vector.broadcast %slice3A_1403 : vector<256x1xf32> to vector<256x128xf32>
    %mul3A_1406 = arith.mulf %mul3A_1405, %convert_element_type3A_1404 : vector<256x128xf32>
    %add3A_1407 = arith.addf %add3A_1402, %mul3A_1406 : vector<256x128xf32>
    %slice3A_1408 = vector.extract_strided_slice %sub3A_1359 {offsets = [0, 4], sizes = [256, 1], strides = [1, 1]} : vector<256x8xf32> to vector<256x1xf32>
    %convert_element_type3A_1409 = arith.extf %convert_element_type3A_661 : vector<256x128xbf16> to vector<256x128xf32>
    %mul3A_1410 = vector.broadcast %slice3A_1408 : vector<256x1xf32> to vector<256x128xf32>
    %mul3A_1411 = arith.mulf %mul3A_1410, %convert_element_type3A_1409 : vector<256x128xf32>
    %add3A_1412 = arith.addf %add3A_1407, %mul3A_1411 : vector<256x128xf32>
    %slice3A_1413 = vector.extract_strided_slice %add3A_1356 {offsets = [0, 5], sizes = [256, 1], strides = [1, 1]} : vector<256x8xf32> to vector<256x1xf32>
    %convert_element_type3A_1414 = arith.extf %convert_element_type3A_745 : vector<256x128xbf16> to vector<256x128xf32>
    %mul3A_1415 = vector.broadcast %slice3A_1413 : vector<256x1xf32> to vector<256x128xf32>
    %mul3A_1416 = arith.mulf %mul3A_1415, %convert_element_type3A_1414 : vector<256x128xf32>
    %add3A_1417 = arith.addf %add3A_1412, %mul3A_1416 : vector<256x128xf32>
    %slice3A_1418 = vector.extract_strided_slice %sub3A_1359 {offsets = [0, 5], sizes = [256, 1], strides = [1, 1]} : vector<256x8xf32> to vector<256x1xf32>
    %convert_element_type3A_1419 = arith.extf %convert_element_type3A_742 : vector<256x128xbf16> to vector<256x128xf32>
    %mul3A_1420 = vector.broadcast %slice3A_1418 : vector<256x1xf32> to vector<256x128xf32>
    %mul3A_1421 = arith.mulf %mul3A_1420, %convert_element_type3A_1419 : vector<256x128xf32>
    %add3A_1422 = arith.addf %add3A_1417, %mul3A_1421 : vector<256x128xf32>
    %slice3A_1423 = vector.extract_strided_slice %add3A_1356 {offsets = [0, 6], sizes = [256, 1], strides = [1, 1]} : vector<256x8xf32> to vector<256x1xf32>
    %convert_element_type3A_1424 = arith.extf %convert_element_type3A_826 : vector<256x128xbf16> to vector<256x128xf32>
    %mul3A_1425 = vector.broadcast %slice3A_1423 : vector<256x1xf32> to vector<256x128xf32>
    %mul3A_1426 = arith.mulf %mul3A_1425, %convert_element_type3A_1424 : vector<256x128xf32>
    %add3A_1427 = arith.addf %add3A_1422, %mul3A_1426 : vector<256x128xf32>
    %slice3A_1428 = vector.extract_strided_slice %sub3A_1359 {offsets = [0, 6], sizes = [256, 1], strides = [1, 1]} : vector<256x8xf32> to vector<256x1xf32>
    %convert_element_type3A_1429 = arith.extf %convert_element_type3A_823 : vector<256x128xbf16> to vector<256x128xf32>
    %mul3A_1430 = vector.broadcast %slice3A_1428 : vector<256x1xf32> to vector<256x128xf32>
    %mul3A_1431 = arith.mulf %mul3A_1430, %convert_element_type3A_1429 : vector<256x128xf32>
    %add3A_1432 = arith.addf %add3A_1427, %mul3A_1431 : vector<256x128xf32>
    %slice3A_1433 = vector.extract_strided_slice %add3A_1356 {offsets = [0, 7], sizes = [256, 1], strides = [1, 1]} : vector<256x8xf32> to vector<256x1xf32>
    %convert_element_type3A_1434 = arith.extf %convert_element_type3A_907 : vector<256x128xbf16> to vector<256x128xf32>
    %mul3A_1435 = vector.broadcast %slice3A_1433 : vector<256x1xf32> to vector<256x128xf32>
    %mul3A_1436 = arith.mulf %mul3A_1435, %convert_element_type3A_1434 : vector<256x128xf32>
    %add3A_1437 = arith.addf %add3A_1432, %mul3A_1436 : vector<256x128xf32>
    %slice3A_1438 = vector.extract_strided_slice %sub3A_1359 {offsets = [0, 7], sizes = [256, 1], strides = [1, 1]} : vector<256x8xf32> to vector<256x1xf32>
    %convert_element_type3A_1439 = arith.extf %convert_element_type3A_904 : vector<256x128xbf16> to vector<256x128xf32>
    %mul3A_1440 = vector.broadcast %slice3A_1438 : vector<256x1xf32> to vector<256x128xf32>
    %mul3A_1441 = arith.mulf %mul3A_1440, %convert_element_type3A_1439 : vector<256x128xf32>
    %add3A_1442 = arith.addf %add3A_1437, %mul3A_1441 : vector<256x128xf32>
    %mul3A_1443 = arith.mulf %add3A_1356, %mul3A_915 : vector<256x8xf32>
    %mul3A_1444 = arith.mulf %sub3A_1359, %mul3A_913 : vector<256x8xf32>
    %add3A_1445 = arith.addf %mul3A_1443, %mul3A_1444 : vector<256x8xf32>
    %mul3A_1446 = arith.mulf %sub3A_1359, %mul3A_915 : vector<256x8xf32>
    %mul3A_1447 = arith.mulf %add3A_1356, %mul3A_913 : vector<256x8xf32>
    %sub3A_1448 = arith.subf %mul3A_1446, %mul3A_1447 : vector<256x8xf32>
    %mul3A_1449 = arith.mulf %add3A_1442, %select_n3A : vector<256x128xf32>
    %broadcast_in_dim3A_1450 = arith.constant 0.000000e+00 : f32
    %broadcast_in_dim3A_1451 = vector.broadcast %broadcast_in_dim3A_1450 : f32 to vector<256x128xf32>
    %slice3A_1452 = vector.extract_strided_slice %add3A_1445 {offsets = [0, 0], sizes = [256, 1], strides = [1, 1]} : vector<256x8xf32> to vector<256x1xf32>
    %convert_element_type3A_1453 = arith.extf %convert_element_type3A_340 : vector<256x128xbf16> to vector<256x128xf32>
    %mul3A_1454 = vector.broadcast %slice3A_1452 : vector<256x1xf32> to vector<256x128xf32>
    %mul3A_1455 = arith.mulf %mul3A_1454, %convert_element_type3A_1453 : vector<256x128xf32>
    %add3A_1456 = arith.addf %broadcast_in_dim3A_1451, %mul3A_1455 : vector<256x128xf32>
    %slice3A_1457 = vector.extract_strided_slice %sub3A_1448 {offsets = [0, 0], sizes = [256, 1], strides = [1, 1]} : vector<256x8xf32> to vector<256x1xf32>
    %convert_element_type3A_1458 = arith.extf %convert_element_type3A_337 : vector<256x128xbf16> to vector<256x128xf32>
    %mul3A_1459 = vector.broadcast %slice3A_1457 : vector<256x1xf32> to vector<256x128xf32>
    %mul3A_1460 = arith.mulf %mul3A_1459, %convert_element_type3A_1458 : vector<256x128xf32>
    %add3A_1461 = arith.addf %add3A_1456, %mul3A_1460 : vector<256x128xf32>
    %slice3A_1462 = vector.extract_strided_slice %add3A_1445 {offsets = [0, 1], sizes = [256, 1], strides = [1, 1]} : vector<256x8xf32> to vector<256x1xf32>
    %convert_element_type3A_1463 = arith.extf %convert_element_type3A_421 : vector<256x128xbf16> to vector<256x128xf32>
    %mul3A_1464 = vector.broadcast %slice3A_1462 : vector<256x1xf32> to vector<256x128xf32>
    %mul3A_1465 = arith.mulf %mul3A_1464, %convert_element_type3A_1463 : vector<256x128xf32>
    %add3A_1466 = arith.addf %add3A_1461, %mul3A_1465 : vector<256x128xf32>
    %slice3A_1467 = vector.extract_strided_slice %sub3A_1448 {offsets = [0, 1], sizes = [256, 1], strides = [1, 1]} : vector<256x8xf32> to vector<256x1xf32>
    %convert_element_type3A_1468 = arith.extf %convert_element_type3A_418 : vector<256x128xbf16> to vector<256x128xf32>
    %mul3A_1469 = vector.broadcast %slice3A_1467 : vector<256x1xf32> to vector<256x128xf32>
    %mul3A_1470 = arith.mulf %mul3A_1469, %convert_element_type3A_1468 : vector<256x128xf32>
    %add3A_1471 = arith.addf %add3A_1466, %mul3A_1470 : vector<256x128xf32>
    %slice3A_1472 = vector.extract_strided_slice %add3A_1445 {offsets = [0, 2], sizes = [256, 1], strides = [1, 1]} : vector<256x8xf32> to vector<256x1xf32>
    %convert_element_type3A_1473 = arith.extf %convert_element_type3A_502 : vector<256x128xbf16> to vector<256x128xf32>
    %mul3A_1474 = vector.broadcast %slice3A_1472 : vector<256x1xf32> to vector<256x128xf32>
    %mul3A_1475 = arith.mulf %mul3A_1474, %convert_element_type3A_1473 : vector<256x128xf32>
    %add3A_1476 = arith.addf %add3A_1471, %mul3A_1475 : vector<256x128xf32>
    %slice3A_1477 = vector.extract_strided_slice %sub3A_1448 {offsets = [0, 2], sizes = [256, 1], strides = [1, 1]} : vector<256x8xf32> to vector<256x1xf32>
    %convert_element_type3A_1478 = arith.extf %convert_element_type3A_499 : vector<256x128xbf16> to vector<256x128xf32>
    %mul3A_1479 = vector.broadcast %slice3A_1477 : vector<256x1xf32> to vector<256x128xf32>
    %mul3A_1480 = arith.mulf %mul3A_1479, %convert_element_type3A_1478 : vector<256x128xf32>
    %add3A_1481 = arith.addf %add3A_1476, %mul3A_1480 : vector<256x128xf32>
    %slice3A_1482 = vector.extract_strided_slice %add3A_1445 {offsets = [0, 3], sizes = [256, 1], strides = [1, 1]} : vector<256x8xf32> to vector<256x1xf32>
    %convert_element_type3A_1483 = arith.extf %convert_element_type3A_583 : vector<256x128xbf16> to vector<256x128xf32>
    %mul3A_1484 = vector.broadcast %slice3A_1482 : vector<256x1xf32> to vector<256x128xf32>
    %mul3A_1485 = arith.mulf %mul3A_1484, %convert_element_type3A_1483 : vector<256x128xf32>
    %add3A_1486 = arith.addf %add3A_1481, %mul3A_1485 : vector<256x128xf32>
    %slice3A_1487 = vector.extract_strided_slice %sub3A_1448 {offsets = [0, 3], sizes = [256, 1], strides = [1, 1]} : vector<256x8xf32> to vector<256x1xf32>
    %convert_element_type3A_1488 = arith.extf %convert_element_type3A_580 : vector<256x128xbf16> to vector<256x128xf32>
    %mul3A_1489 = vector.broadcast %slice3A_1487 : vector<256x1xf32> to vector<256x128xf32>
    %mul3A_1490 = arith.mulf %mul3A_1489, %convert_element_type3A_1488 : vector<256x128xf32>
    %add3A_1491 = arith.addf %add3A_1486, %mul3A_1490 : vector<256x128xf32>
    %slice3A_1492 = vector.extract_strided_slice %add3A_1445 {offsets = [0, 4], sizes = [256, 1], strides = [1, 1]} : vector<256x8xf32> to vector<256x1xf32>
    %convert_element_type3A_1493 = arith.extf %convert_element_type3A_664 : vector<256x128xbf16> to vector<256x128xf32>
    %mul3A_1494 = vector.broadcast %slice3A_1492 : vector<256x1xf32> to vector<256x128xf32>
    %mul3A_1495 = arith.mulf %mul3A_1494, %convert_element_type3A_1493 : vector<256x128xf32>
    %add3A_1496 = arith.addf %add3A_1491, %mul3A_1495 : vector<256x128xf32>
    %slice3A_1497 = vector.extract_strided_slice %sub3A_1448 {offsets = [0, 4], sizes = [256, 1], strides = [1, 1]} : vector<256x8xf32> to vector<256x1xf32>
    %convert_element_type3A_1498 = arith.extf %convert_element_type3A_661 : vector<256x128xbf16> to vector<256x128xf32>
    %mul3A_1499 = vector.broadcast %slice3A_1497 : vector<256x1xf32> to vector<256x128xf32>
    %mul3A_1500 = arith.mulf %mul3A_1499, %convert_element_type3A_1498 : vector<256x128xf32>
    %add3A_1501 = arith.addf %add3A_1496, %mul3A_1500 : vector<256x128xf32>
    %slice3A_1502 = vector.extract_strided_slice %add3A_1445 {offsets = [0, 5], sizes = [256, 1], strides = [1, 1]} : vector<256x8xf32> to vector<256x1xf32>
    %convert_element_type3A_1503 = arith.extf %convert_element_type3A_745 : vector<256x128xbf16> to vector<256x128xf32>
    %mul3A_1504 = vector.broadcast %slice3A_1502 : vector<256x1xf32> to vector<256x128xf32>
    %mul3A_1505 = arith.mulf %mul3A_1504, %convert_element_type3A_1503 : vector<256x128xf32>
    %add3A_1506 = arith.addf %add3A_1501, %mul3A_1505 : vector<256x128xf32>
    %slice3A_1507 = vector.extract_strided_slice %sub3A_1448 {offsets = [0, 5], sizes = [256, 1], strides = [1, 1]} : vector<256x8xf32> to vector<256x1xf32>
    %convert_element_type3A_1508 = arith.extf %convert_element_type3A_742 : vector<256x128xbf16> to vector<256x128xf32>
    %mul3A_1509 = vector.broadcast %slice3A_1507 : vector<256x1xf32> to vector<256x128xf32>
    %mul3A_1510 = arith.mulf %mul3A_1509, %convert_element_type3A_1508 : vector<256x128xf32>
    %add3A_1511 = arith.addf %add3A_1506, %mul3A_1510 : vector<256x128xf32>
    %slice3A_1512 = vector.extract_strided_slice %add3A_1445 {offsets = [0, 6], sizes = [256, 1], strides = [1, 1]} : vector<256x8xf32> to vector<256x1xf32>
    %convert_element_type3A_1513 = arith.extf %convert_element_type3A_826 : vector<256x128xbf16> to vector<256x128xf32>
    %mul3A_1514 = vector.broadcast %slice3A_1512 : vector<256x1xf32> to vector<256x128xf32>
    %mul3A_1515 = arith.mulf %mul3A_1514, %convert_element_type3A_1513 : vector<256x128xf32>
    %add3A_1516 = arith.addf %add3A_1511, %mul3A_1515 : vector<256x128xf32>
    %slice3A_1517 = vector.extract_strided_slice %sub3A_1448 {offsets = [0, 6], sizes = [256, 1], strides = [1, 1]} : vector<256x8xf32> to vector<256x1xf32>
    %convert_element_type3A_1518 = arith.extf %convert_element_type3A_823 : vector<256x128xbf16> to vector<256x128xf32>
    %mul3A_1519 = vector.broadcast %slice3A_1517 : vector<256x1xf32> to vector<256x128xf32>
    %mul3A_1520 = arith.mulf %mul3A_1519, %convert_element_type3A_1518 : vector<256x128xf32>
    %add3A_1521 = arith.addf %add3A_1516, %mul3A_1520 : vector<256x128xf32>
    %slice3A_1522 = vector.extract_strided_slice %add3A_1445 {offsets = [0, 7], sizes = [256, 1], strides = [1, 1]} : vector<256x8xf32> to vector<256x1xf32>
    %convert_element_type3A_1523 = arith.extf %convert_element_type3A_907 : vector<256x128xbf16> to vector<256x128xf32>
    %mul3A_1524 = vector.broadcast %slice3A_1522 : vector<256x1xf32> to vector<256x128xf32>
    %mul3A_1525 = arith.mulf %mul3A_1524, %convert_element_type3A_1523 : vector<256x128xf32>
    %add3A_1526 = arith.addf %add3A_1521, %mul3A_1525 : vector<256x128xf32>
    %slice3A_1527 = vector.extract_strided_slice %sub3A_1448 {offsets = [0, 7], sizes = [256, 1], strides = [1, 1]} : vector<256x8xf32> to vector<256x1xf32>
    %convert_element_type3A_1528 = arith.extf %convert_element_type3A_904 : vector<256x128xbf16> to vector<256x128xf32>
    %mul3A_1529 = vector.broadcast %slice3A_1527 : vector<256x1xf32> to vector<256x128xf32>
    %mul3A_1530 = arith.mulf %mul3A_1529, %convert_element_type3A_1528 : vector<256x128xf32>
    %add3A_1531 = arith.addf %add3A_1526, %mul3A_1530 : vector<256x128xf32>
    %mul3A_1532 = arith.mulf %add3A_1445, %mul3A_915 : vector<256x8xf32>
    %mul3A_1533 = arith.mulf %sub3A_1448, %mul3A_913 : vector<256x8xf32>
    %add3A_1534 = arith.addf %mul3A_1532, %mul3A_1533 : vector<256x8xf32>
    %mul3A_1535 = arith.mulf %sub3A_1448, %mul3A_915 : vector<256x8xf32>
    %mul3A_1536 = arith.mulf %add3A_1445, %mul3A_913 : vector<256x8xf32>
    %sub3A_1537 = arith.subf %mul3A_1535, %mul3A_1536 : vector<256x8xf32>
    %mul3A_1538 = arith.mulf %add3A_1531, %select_n3A : vector<256x128xf32>
    %broadcast_in_dim3A_1539 = arith.constant 0.000000e+00 : f32
    %broadcast_in_dim3A_1540 = vector.broadcast %broadcast_in_dim3A_1539 : f32 to vector<256x128xf32>
    %slice3A_1541 = vector.extract_strided_slice %add3A_1534 {offsets = [0, 0], sizes = [256, 1], strides = [1, 1]} : vector<256x8xf32> to vector<256x1xf32>
    %convert_element_type3A_1542 = arith.extf %convert_element_type3A_340 : vector<256x128xbf16> to vector<256x128xf32>
    %mul3A_1543 = vector.broadcast %slice3A_1541 : vector<256x1xf32> to vector<256x128xf32>
    %mul3A_1544 = arith.mulf %mul3A_1543, %convert_element_type3A_1542 : vector<256x128xf32>
    %add3A_1545 = arith.addf %broadcast_in_dim3A_1540, %mul3A_1544 : vector<256x128xf32>
    %slice3A_1546 = vector.extract_strided_slice %sub3A_1537 {offsets = [0, 0], sizes = [256, 1], strides = [1, 1]} : vector<256x8xf32> to vector<256x1xf32>
    %convert_element_type3A_1547 = arith.extf %convert_element_type3A_337 : vector<256x128xbf16> to vector<256x128xf32>
    %mul3A_1548 = vector.broadcast %slice3A_1546 : vector<256x1xf32> to vector<256x128xf32>
    %mul3A_1549 = arith.mulf %mul3A_1548, %convert_element_type3A_1547 : vector<256x128xf32>
    %add3A_1550 = arith.addf %add3A_1545, %mul3A_1549 : vector<256x128xf32>
    %slice3A_1551 = vector.extract_strided_slice %add3A_1534 {offsets = [0, 1], sizes = [256, 1], strides = [1, 1]} : vector<256x8xf32> to vector<256x1xf32>
    %convert_element_type3A_1552 = arith.extf %convert_element_type3A_421 : vector<256x128xbf16> to vector<256x128xf32>
    %mul3A_1553 = vector.broadcast %slice3A_1551 : vector<256x1xf32> to vector<256x128xf32>
    %mul3A_1554 = arith.mulf %mul3A_1553, %convert_element_type3A_1552 : vector<256x128xf32>
    %add3A_1555 = arith.addf %add3A_1550, %mul3A_1554 : vector<256x128xf32>
    %slice3A_1556 = vector.extract_strided_slice %sub3A_1537 {offsets = [0, 1], sizes = [256, 1], strides = [1, 1]} : vector<256x8xf32> to vector<256x1xf32>
    %convert_element_type3A_1557 = arith.extf %convert_element_type3A_418 : vector<256x128xbf16> to vector<256x128xf32>
    %mul3A_1558 = vector.broadcast %slice3A_1556 : vector<256x1xf32> to vector<256x128xf32>
    %mul3A_1559 = arith.mulf %mul3A_1558, %convert_element_type3A_1557 : vector<256x128xf32>
    %add3A_1560 = arith.addf %add3A_1555, %mul3A_1559 : vector<256x128xf32>
    %slice3A_1561 = vector.extract_strided_slice %add3A_1534 {offsets = [0, 2], sizes = [256, 1], strides = [1, 1]} : vector<256x8xf32> to vector<256x1xf32>
    %convert_element_type3A_1562 = arith.extf %convert_element_type3A_502 : vector<256x128xbf16> to vector<256x128xf32>
    %mul3A_1563 = vector.broadcast %slice3A_1561 : vector<256x1xf32> to vector<256x128xf32>
    %mul3A_1564 = arith.mulf %mul3A_1563, %convert_element_type3A_1562 : vector<256x128xf32>
    %add3A_1565 = arith.addf %add3A_1560, %mul3A_1564 : vector<256x128xf32>
    %slice3A_1566 = vector.extract_strided_slice %sub3A_1537 {offsets = [0, 2], sizes = [256, 1], strides = [1, 1]} : vector<256x8xf32> to vector<256x1xf32>
    %convert_element_type3A_1567 = arith.extf %convert_element_type3A_499 : vector<256x128xbf16> to vector<256x128xf32>
    %mul3A_1568 = vector.broadcast %slice3A_1566 : vector<256x1xf32> to vector<256x128xf32>
    %mul3A_1569 = arith.mulf %mul3A_1568, %convert_element_type3A_1567 : vector<256x128xf32>
    %add3A_1570 = arith.addf %add3A_1565, %mul3A_1569 : vector<256x128xf32>
    %slice3A_1571 = vector.extract_strided_slice %add3A_1534 {offsets = [0, 3], sizes = [256, 1], strides = [1, 1]} : vector<256x8xf32> to vector<256x1xf32>
    %convert_element_type3A_1572 = arith.extf %convert_element_type3A_583 : vector<256x128xbf16> to vector<256x128xf32>
    %mul3A_1573 = vector.broadcast %slice3A_1571 : vector<256x1xf32> to vector<256x128xf32>
    %mul3A_1574 = arith.mulf %mul3A_1573, %convert_element_type3A_1572 : vector<256x128xf32>
    %add3A_1575 = arith.addf %add3A_1570, %mul3A_1574 : vector<256x128xf32>
    %slice3A_1576 = vector.extract_strided_slice %sub3A_1537 {offsets = [0, 3], sizes = [256, 1], strides = [1, 1]} : vector<256x8xf32> to vector<256x1xf32>
    %convert_element_type3A_1577 = arith.extf %convert_element_type3A_580 : vector<256x128xbf16> to vector<256x128xf32>
    %mul3A_1578 = vector.broadcast %slice3A_1576 : vector<256x1xf32> to vector<256x128xf32>
    %mul3A_1579 = arith.mulf %mul3A_1578, %convert_element_type3A_1577 : vector<256x128xf32>
    %add3A_1580 = arith.addf %add3A_1575, %mul3A_1579 : vector<256x128xf32>
    %slice3A_1581 = vector.extract_strided_slice %add3A_1534 {offsets = [0, 4], sizes = [256, 1], strides = [1, 1]} : vector<256x8xf32> to vector<256x1xf32>
    %convert_element_type3A_1582 = arith.extf %convert_element_type3A_664 : vector<256x128xbf16> to vector<256x128xf32>
    %mul3A_1583 = vector.broadcast %slice3A_1581 : vector<256x1xf32> to vector<256x128xf32>
    %mul3A_1584 = arith.mulf %mul3A_1583, %convert_element_type3A_1582 : vector<256x128xf32>
    %add3A_1585 = arith.addf %add3A_1580, %mul3A_1584 : vector<256x128xf32>
    %slice3A_1586 = vector.extract_strided_slice %sub3A_1537 {offsets = [0, 4], sizes = [256, 1], strides = [1, 1]} : vector<256x8xf32> to vector<256x1xf32>
    %convert_element_type3A_1587 = arith.extf %convert_element_type3A_661 : vector<256x128xbf16> to vector<256x128xf32>
    %mul3A_1588 = vector.broadcast %slice3A_1586 : vector<256x1xf32> to vector<256x128xf32>
    %mul3A_1589 = arith.mulf %mul3A_1588, %convert_element_type3A_1587 : vector<256x128xf32>
    %add3A_1590 = arith.addf %add3A_1585, %mul3A_1589 : vector<256x128xf32>
    %slice3A_1591 = vector.extract_strided_slice %add3A_1534 {offsets = [0, 5], sizes = [256, 1], strides = [1, 1]} : vector<256x8xf32> to vector<256x1xf32>
    %convert_element_type3A_1592 = arith.extf %convert_element_type3A_745 : vector<256x128xbf16> to vector<256x128xf32>
    %mul3A_1593 = vector.broadcast %slice3A_1591 : vector<256x1xf32> to vector<256x128xf32>
    %mul3A_1594 = arith.mulf %mul3A_1593, %convert_element_type3A_1592 : vector<256x128xf32>
    %add3A_1595 = arith.addf %add3A_1590, %mul3A_1594 : vector<256x128xf32>
    %slice3A_1596 = vector.extract_strided_slice %sub3A_1537 {offsets = [0, 5], sizes = [256, 1], strides = [1, 1]} : vector<256x8xf32> to vector<256x1xf32>
    %convert_element_type3A_1597 = arith.extf %convert_element_type3A_742 : vector<256x128xbf16> to vector<256x128xf32>
    %mul3A_1598 = vector.broadcast %slice3A_1596 : vector<256x1xf32> to vector<256x128xf32>
    %mul3A_1599 = arith.mulf %mul3A_1598, %convert_element_type3A_1597 : vector<256x128xf32>
    %add3A_1600 = arith.addf %add3A_1595, %mul3A_1599 : vector<256x128xf32>
    %slice3A_1601 = vector.extract_strided_slice %add3A_1534 {offsets = [0, 6], sizes = [256, 1], strides = [1, 1]} : vector<256x8xf32> to vector<256x1xf32>
    %convert_element_type3A_1602 = arith.extf %convert_element_type3A_826 : vector<256x128xbf16> to vector<256x128xf32>
    %mul3A_1603 = vector.broadcast %slice3A_1601 : vector<256x1xf32> to vector<256x128xf32>
    %mul3A_1604 = arith.mulf %mul3A_1603, %convert_element_type3A_1602 : vector<256x128xf32>
    %add3A_1605 = arith.addf %add3A_1600, %mul3A_1604 : vector<256x128xf32>
    %slice3A_1606 = vector.extract_strided_slice %sub3A_1537 {offsets = [0, 6], sizes = [256, 1], strides = [1, 1]} : vector<256x8xf32> to vector<256x1xf32>
    %convert_element_type3A_1607 = arith.extf %convert_element_type3A_823 : vector<256x128xbf16> to vector<256x128xf32>
    %mul3A_1608 = vector.broadcast %slice3A_1606 : vector<256x1xf32> to vector<256x128xf32>
    %mul3A_1609 = arith.mulf %mul3A_1608, %convert_element_type3A_1607 : vector<256x128xf32>
    %add3A_1610 = arith.addf %add3A_1605, %mul3A_1609 : vector<256x128xf32>
    %slice3A_1611 = vector.extract_strided_slice %add3A_1534 {offsets = [0, 7], sizes = [256, 1], strides = [1, 1]} : vector<256x8xf32> to vector<256x1xf32>
    %convert_element_type3A_1612 = arith.extf %convert_element_type3A_907 : vector<256x128xbf16> to vector<256x128xf32>
    %mul3A_1613 = vector.broadcast %slice3A_1611 : vector<256x1xf32> to vector<256x128xf32>
    %mul3A_1614 = arith.mulf %mul3A_1613, %convert_element_type3A_1612 : vector<256x128xf32>
    %add3A_1615 = arith.addf %add3A_1610, %mul3A_1614 : vector<256x128xf32>
    %slice3A_1616 = vector.extract_strided_slice %sub3A_1537 {offsets = [0, 7], sizes = [256, 1], strides = [1, 1]} : vector<256x8xf32> to vector<256x1xf32>
    %convert_element_type3A_1617 = arith.extf %convert_element_type3A_904 : vector<256x128xbf16> to vector<256x128xf32>
    %mul3A_1618 = vector.broadcast %slice3A_1616 : vector<256x1xf32> to vector<256x128xf32>
    %mul3A_1619 = arith.mulf %mul3A_1618, %convert_element_type3A_1617 : vector<256x128xf32>
    %add3A_1620 = arith.addf %add3A_1615, %mul3A_1619 : vector<256x128xf32>
    %mul3A_1621 = arith.mulf %add3A_1534, %mul3A_915 : vector<256x8xf32>
    %mul3A_1622 = arith.mulf %sub3A_1537, %mul3A_913 : vector<256x8xf32>
    %add3A_1623 = arith.addf %mul3A_1621, %mul3A_1622 : vector<256x8xf32>
    %mul3A_1624 = arith.mulf %sub3A_1537, %mul3A_915 : vector<256x8xf32>
    %mul3A_1625 = arith.mulf %add3A_1534, %mul3A_913 : vector<256x8xf32>
    %sub3A_1626 = arith.subf %mul3A_1624, %mul3A_1625 : vector<256x8xf32>
    %mul3A_1627 = arith.mulf %add3A_1620, %select_n3A : vector<256x128xf32>
    %broadcast_in_dim3A_1628 = arith.constant 0.000000e+00 : f32
    %broadcast_in_dim3A_1629 = vector.broadcast %broadcast_in_dim3A_1628 : f32 to vector<256x128xf32>
    %slice3A_1630 = vector.extract_strided_slice %add3A_1623 {offsets = [0, 0], sizes = [256, 1], strides = [1, 1]} : vector<256x8xf32> to vector<256x1xf32>
    %convert_element_type3A_1631 = arith.extf %convert_element_type3A_340 : vector<256x128xbf16> to vector<256x128xf32>
    %mul3A_1632 = vector.broadcast %slice3A_1630 : vector<256x1xf32> to vector<256x128xf32>
    %mul3A_1633 = arith.mulf %mul3A_1632, %convert_element_type3A_1631 : vector<256x128xf32>
    %add3A_1634 = arith.addf %broadcast_in_dim3A_1629, %mul3A_1633 : vector<256x128xf32>
    %slice3A_1635 = vector.extract_strided_slice %sub3A_1626 {offsets = [0, 0], sizes = [256, 1], strides = [1, 1]} : vector<256x8xf32> to vector<256x1xf32>
    %convert_element_type3A_1636 = arith.extf %convert_element_type3A_337 : vector<256x128xbf16> to vector<256x128xf32>
    %mul3A_1637 = vector.broadcast %slice3A_1635 : vector<256x1xf32> to vector<256x128xf32>
    %mul3A_1638 = arith.mulf %mul3A_1637, %convert_element_type3A_1636 : vector<256x128xf32>
    %add3A_1639 = arith.addf %add3A_1634, %mul3A_1638 : vector<256x128xf32>
    %slice3A_1640 = vector.extract_strided_slice %add3A_1623 {offsets = [0, 1], sizes = [256, 1], strides = [1, 1]} : vector<256x8xf32> to vector<256x1xf32>
    %convert_element_type3A_1641 = arith.extf %convert_element_type3A_421 : vector<256x128xbf16> to vector<256x128xf32>
    %mul3A_1642 = vector.broadcast %slice3A_1640 : vector<256x1xf32> to vector<256x128xf32>
    %mul3A_1643 = arith.mulf %mul3A_1642, %convert_element_type3A_1641 : vector<256x128xf32>
    %add3A_1644 = arith.addf %add3A_1639, %mul3A_1643 : vector<256x128xf32>
    %slice3A_1645 = vector.extract_strided_slice %sub3A_1626 {offsets = [0, 1], sizes = [256, 1], strides = [1, 1]} : vector<256x8xf32> to vector<256x1xf32>
    %convert_element_type3A_1646 = arith.extf %convert_element_type3A_418 : vector<256x128xbf16> to vector<256x128xf32>
    %mul3A_1647 = vector.broadcast %slice3A_1645 : vector<256x1xf32> to vector<256x128xf32>
    %mul3A_1648 = arith.mulf %mul3A_1647, %convert_element_type3A_1646 : vector<256x128xf32>
    %add3A_1649 = arith.addf %add3A_1644, %mul3A_1648 : vector<256x128xf32>
    %slice3A_1650 = vector.extract_strided_slice %add3A_1623 {offsets = [0, 2], sizes = [256, 1], strides = [1, 1]} : vector<256x8xf32> to vector<256x1xf32>
    %convert_element_type3A_1651 = arith.extf %convert_element_type3A_502 : vector<256x128xbf16> to vector<256x128xf32>
    %mul3A_1652 = vector.broadcast %slice3A_1650 : vector<256x1xf32> to vector<256x128xf32>
    %mul3A_1653 = arith.mulf %mul3A_1652, %convert_element_type3A_1651 : vector<256x128xf32>
    %add3A_1654 = arith.addf %add3A_1649, %mul3A_1653 : vector<256x128xf32>
    %slice3A_1655 = vector.extract_strided_slice %sub3A_1626 {offsets = [0, 2], sizes = [256, 1], strides = [1, 1]} : vector<256x8xf32> to vector<256x1xf32>
    %convert_element_type3A_1656 = arith.extf %convert_element_type3A_499 : vector<256x128xbf16> to vector<256x128xf32>
    %mul3A_1657 = vector.broadcast %slice3A_1655 : vector<256x1xf32> to vector<256x128xf32>
    %mul3A_1658 = arith.mulf %mul3A_1657, %convert_element_type3A_1656 : vector<256x128xf32>
    %add3A_1659 = arith.addf %add3A_1654, %mul3A_1658 : vector<256x128xf32>
    %slice3A_1660 = vector.extract_strided_slice %add3A_1623 {offsets = [0, 3], sizes = [256, 1], strides = [1, 1]} : vector<256x8xf32> to vector<256x1xf32>
    %convert_element_type3A_1661 = arith.extf %convert_element_type3A_583 : vector<256x128xbf16> to vector<256x128xf32>
    %mul3A_1662 = vector.broadcast %slice3A_1660 : vector<256x1xf32> to vector<256x128xf32>
    %mul3A_1663 = arith.mulf %mul3A_1662, %convert_element_type3A_1661 : vector<256x128xf32>
    %add3A_1664 = arith.addf %add3A_1659, %mul3A_1663 : vector<256x128xf32>
    %slice3A_1665 = vector.extract_strided_slice %sub3A_1626 {offsets = [0, 3], sizes = [256, 1], strides = [1, 1]} : vector<256x8xf32> to vector<256x1xf32>
    %convert_element_type3A_1666 = arith.extf %convert_element_type3A_580 : vector<256x128xbf16> to vector<256x128xf32>
    %mul3A_1667 = vector.broadcast %slice3A_1665 : vector<256x1xf32> to vector<256x128xf32>
    %mul3A_1668 = arith.mulf %mul3A_1667, %convert_element_type3A_1666 : vector<256x128xf32>
    %add3A_1669 = arith.addf %add3A_1664, %mul3A_1668 : vector<256x128xf32>
    %slice3A_1670 = vector.extract_strided_slice %add3A_1623 {offsets = [0, 4], sizes = [256, 1], strides = [1, 1]} : vector<256x8xf32> to vector<256x1xf32>
    %convert_element_type3A_1671 = arith.extf %convert_element_type3A_664 : vector<256x128xbf16> to vector<256x128xf32>
    %mul3A_1672 = vector.broadcast %slice3A_1670 : vector<256x1xf32> to vector<256x128xf32>
    %mul3A_1673 = arith.mulf %mul3A_1672, %convert_element_type3A_1671 : vector<256x128xf32>
    %add3A_1674 = arith.addf %add3A_1669, %mul3A_1673 : vector<256x128xf32>
    %slice3A_1675 = vector.extract_strided_slice %sub3A_1626 {offsets = [0, 4], sizes = [256, 1], strides = [1, 1]} : vector<256x8xf32> to vector<256x1xf32>
    %convert_element_type3A_1676 = arith.extf %convert_element_type3A_661 : vector<256x128xbf16> to vector<256x128xf32>
    %mul3A_1677 = vector.broadcast %slice3A_1675 : vector<256x1xf32> to vector<256x128xf32>
    %mul3A_1678 = arith.mulf %mul3A_1677, %convert_element_type3A_1676 : vector<256x128xf32>
    %add3A_1679 = arith.addf %add3A_1674, %mul3A_1678 : vector<256x128xf32>
    %slice3A_1680 = vector.extract_strided_slice %add3A_1623 {offsets = [0, 5], sizes = [256, 1], strides = [1, 1]} : vector<256x8xf32> to vector<256x1xf32>
    %convert_element_type3A_1681 = arith.extf %convert_element_type3A_745 : vector<256x128xbf16> to vector<256x128xf32>
    %mul3A_1682 = vector.broadcast %slice3A_1680 : vector<256x1xf32> to vector<256x128xf32>
    %mul3A_1683 = arith.mulf %mul3A_1682, %convert_element_type3A_1681 : vector<256x128xf32>
    %add3A_1684 = arith.addf %add3A_1679, %mul3A_1683 : vector<256x128xf32>
    %slice3A_1685 = vector.extract_strided_slice %sub3A_1626 {offsets = [0, 5], sizes = [256, 1], strides = [1, 1]} : vector<256x8xf32> to vector<256x1xf32>
    %convert_element_type3A_1686 = arith.extf %convert_element_type3A_742 : vector<256x128xbf16> to vector<256x128xf32>
    %mul3A_1687 = vector.broadcast %slice3A_1685 : vector<256x1xf32> to vector<256x128xf32>
    %mul3A_1688 = arith.mulf %mul3A_1687, %convert_element_type3A_1686 : vector<256x128xf32>
    %add3A_1689 = arith.addf %add3A_1684, %mul3A_1688 : vector<256x128xf32>
    %slice3A_1690 = vector.extract_strided_slice %add3A_1623 {offsets = [0, 6], sizes = [256, 1], strides = [1, 1]} : vector<256x8xf32> to vector<256x1xf32>
    %convert_element_type3A_1691 = arith.extf %convert_element_type3A_826 : vector<256x128xbf16> to vector<256x128xf32>
    %mul3A_1692 = vector.broadcast %slice3A_1690 : vector<256x1xf32> to vector<256x128xf32>
    %mul3A_1693 = arith.mulf %mul3A_1692, %convert_element_type3A_1691 : vector<256x128xf32>
    %add3A_1694 = arith.addf %add3A_1689, %mul3A_1693 : vector<256x128xf32>
    %slice3A_1695 = vector.extract_strided_slice %sub3A_1626 {offsets = [0, 6], sizes = [256, 1], strides = [1, 1]} : vector<256x8xf32> to vector<256x1xf32>
    %convert_element_type3A_1696 = arith.extf %convert_element_type3A_823 : vector<256x128xbf16> to vector<256x128xf32>
    %mul3A_1697 = vector.broadcast %slice3A_1695 : vector<256x1xf32> to vector<256x128xf32>
    %mul3A_1698 = arith.mulf %mul3A_1697, %convert_element_type3A_1696 : vector<256x128xf32>
    %add3A_1699 = arith.addf %add3A_1694, %mul3A_1698 : vector<256x128xf32>
    %slice3A_1700 = vector.extract_strided_slice %add3A_1623 {offsets = [0, 7], sizes = [256, 1], strides = [1, 1]} : vector<256x8xf32> to vector<256x1xf32>
    %convert_element_type3A_1701 = arith.extf %convert_element_type3A_907 : vector<256x128xbf16> to vector<256x128xf32>
    %mul3A_1702 = vector.broadcast %slice3A_1700 : vector<256x1xf32> to vector<256x128xf32>
    %mul3A_1703 = arith.mulf %mul3A_1702, %convert_element_type3A_1701 : vector<256x128xf32>
    %add3A_1704 = arith.addf %add3A_1699, %mul3A_1703 : vector<256x128xf32>
    %slice3A_1705 = vector.extract_strided_slice %sub3A_1626 {offsets = [0, 7], sizes = [256, 1], strides = [1, 1]} : vector<256x8xf32> to vector<256x1xf32>
    %convert_element_type3A_1706 = arith.extf %convert_element_type3A_904 : vector<256x128xbf16> to vector<256x128xf32>
    %mul3A_1707 = vector.broadcast %slice3A_1705 : vector<256x1xf32> to vector<256x128xf32>
    %mul3A_1708 = arith.mulf %mul3A_1707, %convert_element_type3A_1706 : vector<256x128xf32>
    %add3A_1709 = arith.addf %add3A_1704, %mul3A_1708 : vector<256x128xf32>
    %mul3A_1710 = arith.mulf %add3A_1623, %mul3A_915 : vector<256x8xf32>
    %mul3A_1711 = arith.mulf %sub3A_1626, %mul3A_913 : vector<256x8xf32>
    %add3A_1712 = arith.addf %mul3A_1710, %mul3A_1711 : vector<256x8xf32>
    %mul3A_1713 = arith.mulf %sub3A_1626, %mul3A_915 : vector<256x8xf32>
    %mul3A_1714 = arith.mulf %add3A_1623, %mul3A_913 : vector<256x8xf32>
    %sub3A_1715 = arith.subf %mul3A_1713, %mul3A_1714 : vector<256x8xf32>
    %mul3A_1716 = arith.mulf %add3A_1709, %select_n3A : vector<256x128xf32>
    %broadcast_in_dim3A_1717 = arith.constant 0.000000e+00 : f32
    %broadcast_in_dim3A_1718 = vector.broadcast %broadcast_in_dim3A_1717 : f32 to vector<256x128xf32>
    %slice3A_1719 = vector.extract_strided_slice %add3A_1712 {offsets = [0, 0], sizes = [256, 1], strides = [1, 1]} : vector<256x8xf32> to vector<256x1xf32>
    %convert_element_type3A_1720 = arith.extf %convert_element_type3A_340 : vector<256x128xbf16> to vector<256x128xf32>
    %mul3A_1721 = vector.broadcast %slice3A_1719 : vector<256x1xf32> to vector<256x128xf32>
    %mul3A_1722 = arith.mulf %mul3A_1721, %convert_element_type3A_1720 : vector<256x128xf32>
    %add3A_1723 = arith.addf %broadcast_in_dim3A_1718, %mul3A_1722 : vector<256x128xf32>
    %slice3A_1724 = vector.extract_strided_slice %sub3A_1715 {offsets = [0, 0], sizes = [256, 1], strides = [1, 1]} : vector<256x8xf32> to vector<256x1xf32>
    %convert_element_type3A_1725 = arith.extf %convert_element_type3A_337 : vector<256x128xbf16> to vector<256x128xf32>
    %mul3A_1726 = vector.broadcast %slice3A_1724 : vector<256x1xf32> to vector<256x128xf32>
    %mul3A_1727 = arith.mulf %mul3A_1726, %convert_element_type3A_1725 : vector<256x128xf32>
    %add3A_1728 = arith.addf %add3A_1723, %mul3A_1727 : vector<256x128xf32>
    %slice3A_1729 = vector.extract_strided_slice %add3A_1712 {offsets = [0, 1], sizes = [256, 1], strides = [1, 1]} : vector<256x8xf32> to vector<256x1xf32>
    %convert_element_type3A_1730 = arith.extf %convert_element_type3A_421 : vector<256x128xbf16> to vector<256x128xf32>
    %mul3A_1731 = vector.broadcast %slice3A_1729 : vector<256x1xf32> to vector<256x128xf32>
    %mul3A_1732 = arith.mulf %mul3A_1731, %convert_element_type3A_1730 : vector<256x128xf32>
    %add3A_1733 = arith.addf %add3A_1728, %mul3A_1732 : vector<256x128xf32>
    %slice3A_1734 = vector.extract_strided_slice %sub3A_1715 {offsets = [0, 1], sizes = [256, 1], strides = [1, 1]} : vector<256x8xf32> to vector<256x1xf32>
    %convert_element_type3A_1735 = arith.extf %convert_element_type3A_418 : vector<256x128xbf16> to vector<256x128xf32>
    %mul3A_1736 = vector.broadcast %slice3A_1734 : vector<256x1xf32> to vector<256x128xf32>
    %mul3A_1737 = arith.mulf %mul3A_1736, %convert_element_type3A_1735 : vector<256x128xf32>
    %add3A_1738 = arith.addf %add3A_1733, %mul3A_1737 : vector<256x128xf32>
    %slice3A_1739 = vector.extract_strided_slice %add3A_1712 {offsets = [0, 2], sizes = [256, 1], strides = [1, 1]} : vector<256x8xf32> to vector<256x1xf32>
    %convert_element_type3A_1740 = arith.extf %convert_element_type3A_502 : vector<256x128xbf16> to vector<256x128xf32>
    %mul3A_1741 = vector.broadcast %slice3A_1739 : vector<256x1xf32> to vector<256x128xf32>
    %mul3A_1742 = arith.mulf %mul3A_1741, %convert_element_type3A_1740 : vector<256x128xf32>
    %add3A_1743 = arith.addf %add3A_1738, %mul3A_1742 : vector<256x128xf32>
    %slice3A_1744 = vector.extract_strided_slice %sub3A_1715 {offsets = [0, 2], sizes = [256, 1], strides = [1, 1]} : vector<256x8xf32> to vector<256x1xf32>
    %convert_element_type3A_1745 = arith.extf %convert_element_type3A_499 : vector<256x128xbf16> to vector<256x128xf32>
    %mul3A_1746 = vector.broadcast %slice3A_1744 : vector<256x1xf32> to vector<256x128xf32>
    %mul3A_1747 = arith.mulf %mul3A_1746, %convert_element_type3A_1745 : vector<256x128xf32>
    %add3A_1748 = arith.addf %add3A_1743, %mul3A_1747 : vector<256x128xf32>
    %slice3A_1749 = vector.extract_strided_slice %add3A_1712 {offsets = [0, 3], sizes = [256, 1], strides = [1, 1]} : vector<256x8xf32> to vector<256x1xf32>
    %convert_element_type3A_1750 = arith.extf %convert_element_type3A_583 : vector<256x128xbf16> to vector<256x128xf32>
    %mul3A_1751 = vector.broadcast %slice3A_1749 : vector<256x1xf32> to vector<256x128xf32>
    %mul3A_1752 = arith.mulf %mul3A_1751, %convert_element_type3A_1750 : vector<256x128xf32>
    %add3A_1753 = arith.addf %add3A_1748, %mul3A_1752 : vector<256x128xf32>
    %slice3A_1754 = vector.extract_strided_slice %sub3A_1715 {offsets = [0, 3], sizes = [256, 1], strides = [1, 1]} : vector<256x8xf32> to vector<256x1xf32>
    %convert_element_type3A_1755 = arith.extf %convert_element_type3A_580 : vector<256x128xbf16> to vector<256x128xf32>
    %mul3A_1756 = vector.broadcast %slice3A_1754 : vector<256x1xf32> to vector<256x128xf32>
    %mul3A_1757 = arith.mulf %mul3A_1756, %convert_element_type3A_1755 : vector<256x128xf32>
    %add3A_1758 = arith.addf %add3A_1753, %mul3A_1757 : vector<256x128xf32>
    %slice3A_1759 = vector.extract_strided_slice %add3A_1712 {offsets = [0, 4], sizes = [256, 1], strides = [1, 1]} : vector<256x8xf32> to vector<256x1xf32>
    %convert_element_type3A_1760 = arith.extf %convert_element_type3A_664 : vector<256x128xbf16> to vector<256x128xf32>
    %mul3A_1761 = vector.broadcast %slice3A_1759 : vector<256x1xf32> to vector<256x128xf32>
    %mul3A_1762 = arith.mulf %mul3A_1761, %convert_element_type3A_1760 : vector<256x128xf32>
    %add3A_1763 = arith.addf %add3A_1758, %mul3A_1762 : vector<256x128xf32>
    %slice3A_1764 = vector.extract_strided_slice %sub3A_1715 {offsets = [0, 4], sizes = [256, 1], strides = [1, 1]} : vector<256x8xf32> to vector<256x1xf32>
    %convert_element_type3A_1765 = arith.extf %convert_element_type3A_661 : vector<256x128xbf16> to vector<256x128xf32>
    %mul3A_1766 = vector.broadcast %slice3A_1764 : vector<256x1xf32> to vector<256x128xf32>
    %mul3A_1767 = arith.mulf %mul3A_1766, %convert_element_type3A_1765 : vector<256x128xf32>
    %add3A_1768 = arith.addf %add3A_1763, %mul3A_1767 : vector<256x128xf32>
    %slice3A_1769 = vector.extract_strided_slice %add3A_1712 {offsets = [0, 5], sizes = [256, 1], strides = [1, 1]} : vector<256x8xf32> to vector<256x1xf32>
    %convert_element_type3A_1770 = arith.extf %convert_element_type3A_745 : vector<256x128xbf16> to vector<256x128xf32>
    %mul3A_1771 = vector.broadcast %slice3A_1769 : vector<256x1xf32> to vector<256x128xf32>
    %mul3A_1772 = arith.mulf %mul3A_1771, %convert_element_type3A_1770 : vector<256x128xf32>
    %add3A_1773 = arith.addf %add3A_1768, %mul3A_1772 : vector<256x128xf32>
    %slice3A_1774 = vector.extract_strided_slice %sub3A_1715 {offsets = [0, 5], sizes = [256, 1], strides = [1, 1]} : vector<256x8xf32> to vector<256x1xf32>
    %convert_element_type3A_1775 = arith.extf %convert_element_type3A_742 : vector<256x128xbf16> to vector<256x128xf32>
    %mul3A_1776 = vector.broadcast %slice3A_1774 : vector<256x1xf32> to vector<256x128xf32>
    %mul3A_1777 = arith.mulf %mul3A_1776, %convert_element_type3A_1775 : vector<256x128xf32>
    %add3A_1778 = arith.addf %add3A_1773, %mul3A_1777 : vector<256x128xf32>
    %slice3A_1779 = vector.extract_strided_slice %add3A_1712 {offsets = [0, 6], sizes = [256, 1], strides = [1, 1]} : vector<256x8xf32> to vector<256x1xf32>
    %convert_element_type3A_1780 = arith.extf %convert_element_type3A_826 : vector<256x128xbf16> to vector<256x128xf32>
    %mul3A_1781 = vector.broadcast %slice3A_1779 : vector<256x1xf32> to vector<256x128xf32>
    %mul3A_1782 = arith.mulf %mul3A_1781, %convert_element_type3A_1780 : vector<256x128xf32>
    %add3A_1783 = arith.addf %add3A_1778, %mul3A_1782 : vector<256x128xf32>
    %slice3A_1784 = vector.extract_strided_slice %sub3A_1715 {offsets = [0, 6], sizes = [256, 1], strides = [1, 1]} : vector<256x8xf32> to vector<256x1xf32>
    %convert_element_type3A_1785 = arith.extf %convert_element_type3A_823 : vector<256x128xbf16> to vector<256x128xf32>
    %mul3A_1786 = vector.broadcast %slice3A_1784 : vector<256x1xf32> to vector<256x128xf32>
    %mul3A_1787 = arith.mulf %mul3A_1786, %convert_element_type3A_1785 : vector<256x128xf32>
    %add3A_1788 = arith.addf %add3A_1783, %mul3A_1787 : vector<256x128xf32>
    %slice3A_1789 = vector.extract_strided_slice %add3A_1712 {offsets = [0, 7], sizes = [256, 1], strides = [1, 1]} : vector<256x8xf32> to vector<256x1xf32>
    %convert_element_type3A_1790 = arith.extf %convert_element_type3A_907 : vector<256x128xbf16> to vector<256x128xf32>
    %mul3A_1791 = vector.broadcast %slice3A_1789 : vector<256x1xf32> to vector<256x128xf32>
    %mul3A_1792 = arith.mulf %mul3A_1791, %convert_element_type3A_1790 : vector<256x128xf32>
    %add3A_1793 = arith.addf %add3A_1788, %mul3A_1792 : vector<256x128xf32>
    %slice3A_1794 = vector.extract_strided_slice %sub3A_1715 {offsets = [0, 7], sizes = [256, 1], strides = [1, 1]} : vector<256x8xf32> to vector<256x1xf32>
    %convert_element_type3A_1795 = arith.extf %convert_element_type3A_904 : vector<256x128xbf16> to vector<256x128xf32>
    %mul3A_1796 = vector.broadcast %slice3A_1794 : vector<256x1xf32> to vector<256x128xf32>
    %mul3A_1797 = arith.mulf %mul3A_1796, %convert_element_type3A_1795 : vector<256x128xf32>
    %add3A_1798 = arith.addf %add3A_1793, %mul3A_1797 : vector<256x128xf32>
    %mul3A_1799 = arith.mulf %add3A_1798, %select_n3A : vector<256x128xf32>
    %concatenate3A = tpu.concatenate %mul3A_1004, %mul3A_1093, %mul3A_1182, %mul3A_1271, %mul3A_1360, %mul3A_1449, %mul3A_1538, %mul3A_1627, %mul3A_1716, %mul3A_1799 in 1 : vector<256x128xf32>, vector<256x128xf32>, vector<256x128xf32>, vector<256x128xf32>, vector<256x128xf32>, vector<256x128xf32>, vector<256x128xf32>, vector<256x128xf32>, vector<256x128xf32>, vector<256x128xf32> -> vector<256x1280xf32>
    %slice3A_1800 = vector.extract_strided_slice %concatenate3A {offsets = [0, 0], sizes = [256, 1], strides = [1, 1]} : vector<256x1280xf32> to vector<256x1xf32>
    %slice3A_1801 = vector.extract_strided_slice %concatenate3A {offsets = [0, 0], sizes = [256, 1279], strides = [1, 1]} : vector<256x1280xf32> to vector<256x1279xf32>
    %concatenate3A_1802 = tpu.concatenate %slice3A_1800, %slice3A_1801 in 1 : vector<256x1xf32>, vector<256x1279xf32> -> vector<256x1280xf32>
    %add3A_1803 = arith.addf %concatenate3A, %concatenate3A_1802 : vector<256x1280xf32>
    %mul3A_1804 = arith.constant 5.000000e-01 : f32
    %mul3A_1805 = vector.broadcast %mul3A_1804 : f32 to vector<256x1280xf32>
    %mul3A_1806 = arith.mulf %mul3A_1805, %add3A_1803 : vector<256x1280xf32>
    %mul3A_1807 = vector.broadcast %div3A_118 : vector<256x1xf32> to vector<256x1280xf32>
    %mul3A_1808 = arith.mulf %mul3A_1807, %mul3A_1806 : vector<256x1280xf32>
    %sub3A_1809 = arith.constant 1.000000e+00 : f32
    %sub3A_1810 = vector.broadcast %sub3A_1809 : f32 to vector<256x1xf32>
    %sub3A_1811 = arith.subf %sub3A_1810, %div3A_118 : vector<256x1xf32>
    %mul3A_1812 = vector.broadcast %sub3A_1811 : vector<256x1xf32> to vector<256x1280xf32>
    %mul3A_1813 = arith.mulf %mul3A_1812, %concatenate3A : vector<256x1280xf32>
    %add3A_1814 = arith.addf %mul3A_1808, %mul3A_1813 : vector<256x1280xf32>
    %slice3A_1815 = vector.extract_strided_slice %get3A_1 {offsets = [0, 0], sizes = [256, 200], strides = [1, 1]} : vector<256x384xf32> to vector<256x200xf32>
    %broadcast_in_dim3A_1816 = arith.constant 0.000000e+00 : f32
    %broadcast_in_dim3A_1817 = vector.broadcast %broadcast_in_dim3A_1816 : f32 to vector<256x1080xf32>
    %concatenate3A_1818 = tpu.concatenate %slice3A_1815, %broadcast_in_dim3A_1817 in 1 : vector<256x200xf32>, vector<256x1080xf32> -> vector<256x1280xf32>
    %add3A_1819 = arith.addf %concatenate3A_1818, %add3A_1814 : vector<256x1280xf32>
    %slice3A_1820 = vector.extract_strided_slice %add3A_1819 {offsets = [0, 0], sizes = [256, 1200], strides = [1, 1]} : vector<256x1280xf32> to vector<256x1200xf32>
    %swap3A = arith.constant 0 : index
    %swap3A_1821 = arith.constant 0 : index
    %swap3A_1822 = vector.load %arg3[%swap3A, %swap3A_1821] : memref<256x1200xf32, #tpu.memory_space<vmem>>, vector<256x1200xf32>
    tpu.vector_store %arg3[%swap3A, %swap3A_1821], %slice3A_1820 {strides = array<i32>} : memref<256x1200xf32, #tpu.memory_space<vmem>>, vector<256x1200xf32>,
    return
  }
  func.func @transform_0(%arg0: i32) -> (i32, i32) {
    %c0_i32 = arith.constant 0 : i32
    %c0_i32_0 = arith.constant 0 : i32
    %c0_i32_1 = arith.constant 0 : i32
    return %c0_i32, %c0_i32_0 : i32, i32
  }
  func.func @transform_1(%arg0: i32) -> (i32, i32) {
    %c0_i32 = arith.constant 0 : i32
    %c0_i32_0 = arith.constant 0 : i32
    return %arg0, %c0_i32 : i32, i32
  }
  func.func @transform_2(%arg0: i32) -> (i32, i32) {
    %c0_i32 = arith.constant 0 : i32
    %c0_i32_0 = arith.constant 0 : i32
    return %arg0, %c0_i32 : i32, i32
  }
}

</mosaic_0001>

<sc_bundles>
// kernel: kernel.4.cloned.1.call-start
scs
__scs_entry_jumppad:
0x0: {  	(pc) =	sbr.rel $0x88, $3  }
0x1: {  	(tag) =	ssettag $0x0;
	lr =	simm.s32 $0x1  }
0x2: {  	[smem:$0x3F99] =	sst lr;
	_ =	strace $0xD0000000  }
0x3: {  	_ = 	snop  }
0x4: {  	_ = 	snop  }
0x5: {  	_ = 	snop  }
0x6: {  	_ = 	snop  }
0x7: {  	_ = 	snop  }
__scs_overlays_trampoline_lowered:
0x8: {  	[smem:$0x3FA8] =	sst s0  }
0x9: {  	[smem:$0x3FA9] =	sst s1  }
0xa: {  	[smem:$0x3FAA] =	sst s2  }
0xb: {  	[smem:$0x3FAB] =	sst s3  }
0xc: {  	[smem:$0x3FAC] =	sst s4  }
0xd: {  	[smem:$0x3FAD] =	sst s5  }
0xe: {  	[smem:$0x3FAE] =	sst s6  }
0xf: {  	[smem:$0x3FAF] =	sst s7  }
0x10: {  	[smem:$0x3FB0] =	sst s8  }
0x11: {  	[smem:$0x3FB1] =	sst s9;
	s0 =	simm.s32 @!p0 $0x0  }
0x12: {  	s1 =	sld [smem:$0x3F97];
	s0 =	simm.s32 @p0 $0x1  }
0x13: {  	[smem:$0x3FB2] =	sst s0;
	s0 =	simm.s32 @!p1 $0x0  }
0x14: {  	s2 =	sld [smem:$0x3F96];
	s0 =	simm.s32 @p1 $0x1  }
0x15: {  	[smem:$0x3FB3] =	sst s0;
	s0 =	simm.s32 @!p2 $0x0  }
0x16: {  	s3 =	sld [smem:$0x3FDB];
	s0 =	simm.s32 @p2 $0x1  }
0x17: {  	s4 =	simm.s32 $0x1BF5;
	[smem:$0x3FB5] =	sst s0  }
0x18: {  	s0 =	sld [smem:$0x3F98];
	_ =	swait.ge [sflag:s4], $0x0  }
0x19: {  	s7 =	sld [smem:$0x3F99]  }
0x1a: {  	s8 =	sadd.s32 $0xFFFFE003, lr  }
0x1b: {  	s9 =	sadd.s32 $0xFFFFFEF7, lr;
	s5 =	simm.s32 $0xFFFFFFFF;
	p2 =	slt.u32 s8, $0xFFFFF086  }
0x1c: {  	p1 =	slt.u32 s9, $0xF7A;
	s5 =	simm.s32 @!p2 $0x0  }
0x1d: {  	s5 =	simm.s32 @p1 $0x1;
	p0 =	seq.s32 s7, s2  }
0x1e: {  	s7 =	smul.u32 @!p0 $0xF7A, s2;
	p2 =	seq.s32 @!p0 s5, $0x0  }
0x1f: {  	s9 =	smul.u32 $0xF7A, s1;
	s8 =	simm.s32 @!p0 $0x1BF5;
	p2 =	por !p2, p0  }
0x20: {  	[sflag:s8] =	ssyncset.s32 @!p0 $0xFFFFF086;
	s6 =	sadd.s32 @!p0 s3, s7;
	s7 =	simm.s32 @!p0 $0x108  }
0x21: {  	s3 =	sadd.s32 s3, s9;
	s6 =	sadd.s32 @!p0 $0x88, s6;
	s7 =	simm.s32 @p2 $0x1082  }
0x22: {  	[simem:s7], [sflag:s8] =	dma.local @!p0 [hbm:s6], $0xF7A  }
0x23: {  	s9 =	sor.u32 $0xD0000000, s2;
	s6 =	simm.s32 $0x108;
	_ =	swait.ge @!p0 [sflag:s8], $0x0  }
0x24: {  	s3 =	sadd.s32 $0x88, s3;
	s6 =	simm.s32 @!p1 $0x1082;
	[sflag:s4] =	ssyncset.s32 $0xFFFFF086  }
0x25: {  	[simem:s6], [sflag:s4] =	dma.local [hbm:s3], $0xF7A  }
0x26: {  	[smem:$0x3F99] =	sst s1;
	(tag) =	ssettag s2;
	_ =	strace s9  }
0x27: {  	s1 =	sld [smem:$0x3FA9]  }
0x28: {  	s2 =	sld [smem:$0x3FAA]  }
0x29: {  	s4 =	sld [smem:$0x3FAC]  }
0x2a: {  	p0 =	seq.s32 s5, $0x0;
	s5 =	sld [smem:$0x3FAD]  }
0x2b: {  	s6 =	sld [smem:$0x3FAE]  }
0x2c: {  	s7 =	sld [smem:$0x3FAF]  }
0x2d: {  	s3 =	simm.s32 $0x108;
	s8 =	sld [smem:$0x3FB0]  }
0x2e: {  	s3 =	simm.s32 @!p0 $0x1082;
	s9 =	sld [smem:$0x3FB1]  }
0x2f: {  	lr =	sadd.s32 s0, s3;
	s0 =	sld [smem:$0x3FA8]  }
0x30: {  	s3 =	sld [smem:$0x3FAB]  }
0x31: {  	[smem:$0x3FB4] =	sst s10  }
0x32: {  	s10 =	sld [smem:$0x3FB2];
	_ =	sdelay $0x3  }
0x33: {  	p0 =	seq.s32 s10, $0x1;
	s10 =	sld [smem:$0x3FB4];
	_ =	sdelay $0x3  }
0x34: {  	[smem:$0x3FB4] =	sst s10  }
0x35: {  	s10 =	sld [smem:$0x3FB3];
	_ =	sdelay $0x3  }
0x36: {  	p1 =	seq.s32 s10, $0x1;
	s10 =	sld [smem:$0x3FB4];
	_ =	sdelay $0x3  }
0x37: {  	[smem:$0x3FB4] =	sst s10  }
0x38: {  	s10 =	sld [smem:$0x3FB5]  }
0x39: {  	_ = 	snop;
	(pc) =	sbr.ind lr, $3  }
0x3a: {  	_ = 	snop  }
0x3b: {  	_ = 	snop  }
0x3c: {  	p2 =	seq.s32 s10, $0x1;
	s10 =	sld [smem:$0x3FB4]  }
0x3d: {  	_ =	shalt  }
0x3e: {  	_ =	shalt  }
0x3f: {  	_ =	shalt  }
0x40: {  	_ =	shalt  }
0x41: {  	_ =	shalt  }
0x42: {  	_ =	shalt  }
0x43: {  	_ =	shalt  }
0x44: {  	_ =	shalt  }
0x45: {  	_ =	shalt  }
0x46: {  	_ =	shalt  }
0x47: {  	_ =	shalt  }
0x48: {  	_ =	shalt  }
0x49: {  	_ =	shalt  }
0x4a: {  	_ =	shalt  }
0x4b: {  	_ =	shalt  }
0x4c: {  	_ =	shalt  }
0x4d: {  	_ =	shalt  }
0x4e: {  	_ =	shalt  }
0x4f: {  	_ =	shalt  }
0x50: {  	_ =	shalt  }
0x51: {  	_ =	shalt  }
0x52: {  	_ =	shalt  }
0x53: {  	_ =	shalt  }
0x54: {  	_ =	shalt  }
0x55: {  	_ =	shalt  }
0x56: {  	_ =	shalt  }
0x57: {  	_ =	shalt  }
0x58: {  	_ =	shalt  }
0x59: {  	_ =	shalt  }
0x5a: {  	_ =	shalt  }
0x5b: {  	_ =	shalt  }
0x5c: {  	_ =	shalt  }
0x5d: {  	_ =	shalt  }
0x5e: {  	_ =	shalt  }
0x5f: {  	_ =	shalt  }
0x60: {  	_ =	shalt  }
0x61: {  	_ =	shalt  }
0x62: {  	_ =	shalt  }
0x63: {  	_ =	shalt  }
0x64: {  	_ =	shalt  }
0x65: {  	_ =	shalt  }
0x66: {  	_ =	shalt  }
0x67: {  	_ =	shalt  }
0x68: {  	_ =	shalt  }
0x69: {  	_ =	shalt  }
0x6a: {  	_ =	shalt  }
0x6b: {  	_ =	shalt  }
0x6c: {  	_ =	shalt  }
0x6d: {  	_ =	shalt  }
0x6e: {  	_ =	shalt  }
0x6f: {  	_ =	shalt  }
0x70: {  	_ =	shalt  }
0x71: {  	_ =	shalt  }
0x72: {  	_ =	shalt  }
0x73: {  	_ =	shalt  }
0x74: {  	_ =	shalt  }
0x75: {  	_ =	shalt  }
0x76: {  	_ =	shalt  }
0x77: {  	_ =	shalt  }
0x78: {  	_ =	shalt  }
0x79: {  	_ =	shalt  }
0x7a: {  	_ =	shalt  }
0x7b: {  	_ =	shalt  }
0x7c: {  	_ =	shalt  }
0x7d: {  	_ =	shalt  }
0x7e: {  	_ =	shalt  }
0x7f: {  	_ =	shalt  }
0x80: {  	_ =	shalt  }
0x81: {  	_ =	shalt  }
0x82: {  	_ =	shalt  }
0x83: {  	_ =	shalt  }
0x84: {  	_ =	shalt  }
0x85: {  	_ =	shalt  }
0x86: {  	_ =	shalt  }
0x87: {  	_ =	shalt  }
.Lfunc_end0:
.L_simem_size_0:
called_computation_lowered:
.L_overlay_start_0:
0x88: {  	s2 =	sld [smem:$0x3FD9]  }
0x89: {  	s3 =	sld [smem:$0x3FFE];
	_ =	sdelay $0x1  }
0x8a: {  	s1 =	srdreg.scid  }
0x8b: {  	s0 =	sand.u32 $0x1, s1  }
0x8c: {  	s17 =	sshll.u32 s0, $0xA;
	s2 =	sadd.s32 s3, s2  }
0x8d: {  	s2 =	sadd.s32 s2, s17  }
0x8e: {  	[smem:$0x3FC0] =	sst s2  }
0x8f: {  	_ = 	snop  }
0x90: {  	s2 =	sld [smem:$0x3FC9]  }
0x91: {  	s18 =	sld [smem:$0x3FD0];
	(tm) =	ssettm $0x1  }
0x92: {  	s4 =	sld [smem:$0x3FFB];
	_ =	sdelay $0x3  }
0x93: {  	_ =	strace s4  }
0x94: {  	s4 =	sld [smem:$0x3FFC];
	_ =	sdelay $0x3  }
0x95: {  	_ =	strace s4  }
0x96: {  	s4 =	sld [smem:$0x3FFD];
	_ =	sdelay $0x3  }
0x97: {  	_ =	strace s4  }
0x98: {  	_ =	strace $0x8FFFFFFF  }
0x99: {  	s19 =	sld [smem:$0x3FDB];
	_ =	sdelay $0x1  }
0x9a: {  	s5 =	simm.s32 $_scs_section_size  }
0x9b: {  	s6 =	simm.s32 $_size__tile_overlayer_lowered;
	s7 =	simm.s32 $_tile_overlayer_lowered  }
0x9c: {  	s22 =	simm.s32 $0x1BFF;
	s21 =	sshll.u32 s7, $0x1;
	s4 =	sadd.s32 s5, s19  }
0x9d: {  	s8 =	simm.s32 $0x0;
	s20 =	sshll.u32 s6, $0x1;
	s6 =	sadd.s32 s21, s4  }
0x9e: {  	[timem:s8], [sflag:s22] =	dma.local [hbm:s6], s20  }
0x9f: {  	_ =	swait.ge [sflag:s22], s20  }
0xa0: {  	s5 =	ssub.s32 $0x0, s20;
	[sflag:s22] =	ssyncset.done $0x0  }
0xa1: {  	[sflag:s22] =	ssyncadd.s32 s5;
	_ =	sdelay $0x1  }
0xa2: {  	s23 =	simm.s32 $0x1B8B  }
0xa3: {  	_ =	swait.ge [sflag:s23], $0x1  }
0xa4: {  	[sflag:s23] =	ssyncset.done $0x0  }
0xa5: {  	s25 =	simm.s32 $0x1B8E;
	s24 =	sld [smem:$0x3FFE];
	[sflag:s23] =	ssyncadd.s32 $0xFFFFFFFF  }
0xa6: {  	s26 =	simm.s32 $execute0_lowered;
	[smem:$0x3FD2] =	sst s25  }
0xa7: {  	s6 =	sshll.u32 s26, $0x1;
	_ =	strace $0x80000046;
	[dreg:$0x1] =	wrdreg $0xFFFFFFFF  }
0xa8: {  	s28 =	simm.s32 $_size_execute0_lowered;
	s4 =	sadd.s32 s4, s6;
	[dreg:$0x0] =	wrdreg $0x0  }
0xa9: {  	s6 =	sshll.u32 s28, $0x1;
	[dreg:$0x2] =	wrdreg s4  }
0xaa: {  	[dreg:$0x3] =	wrdreg s6  }
0xab: {  	[dreg:$0x4] =	wrdreg $0xC0  }
0xac: {  	_ =	task [dreg:s8], $0x5FFFF  }
0xad: {  	[dreg:$0x1] =	wrdreg $0xFFFFFFFF  }
0xae: {  	[dreg:$0x0] =	wrdreg $0x60  }
0xaf: {  	[dreg:$0x2] =	wrdreg s24  }
0xb0: {  	[dreg:$0x3] =	wrdreg s2  }
0xb1: {  	[dreg:$0x4] =	wrdreg s18  }
0xb2: {  	[dreg:$0x5] =	wrdreg $0x9  }
0xb3: {  	_ =	task.clear_ibuf [dreg:s8], $0x6FFFF;
	_ =	strace $0x90000046  }
0xb4: {  	s29 =	simm.s32 $0x9;
	_ =	strace $0x80000048  }
0xb5: {  	_ =	swait.ge [sflag:s29], $0x1  }
0xb6: {  	[sflag:s29] =	ssyncadd.s32 $0xFFFFFFFF  }
0xb7: {  	_ =	strace $0x90000048  }
0xb8: {  	_ =	sfence  }
0xb9: {  	s30 =	sld [smem:$0x0];
	_ =	sdelay $0x2  }
0xba: {  	s31 =	sshll.u32 s1, $0xD;
	s1 =	sshrl.u32 s1, $0x2  }
0xbb: {  	s3 =	sand.u32 $0x4000, s31;
	s1 =	sadd.s32 s1, s30  }
0xbc: {  	s0 =	sor.u32 s3, s0;
	s1 =	sshll.u32 s1, $0x11  }
0xbd: {  	s0 =	sor.u32 s1, s0  }
0xbe: {  	s0 =	sadd.s32 $0x8F2B, s0  }
0xbf: {  	[sflag:s0] =	ssyncadd.remote.s32 $0x1  }
0xc0: {  	_ =	sfence.sel $0xFFFF  }
0xc1: {  	[dreg:$0x0] =	wrdreg $0xFFFFFFFF;
	(pc) =	sbr.abs _section_cstart, $3  }
0xc2: {  	[dreg:$0x1] =	wrdreg $0xFFFFFFFF  }
0xc3: {  	_ =	task.clear_ibuf [dreg:s8], $0x2FFFF;
	_ =	strace $0x9FFFFFFF  }
0xc4: {  	(tm) =	ssettm $0x7FFFFFFF  }
0xc5: {  	_ =	shalt  }
tec
execute0_lowered:
.L_overlay_start_1:
0x0: {  	(tag) =	ssettag $0x1  }
0x1: {  	s1 =	rddreg [dreg:$0x0];
	s2 =	srdreg.scid  }
0x2: {  	s3 =	rddreg [dreg:$0x1];
	s0 =	stileid.u32  }
0x3: {  	s5 =	rddreg [dreg:$0x2];
	s18 =	simm.s32 $0x880;
	s19 =	simm.s32 $0xC80  }
0x4: {  	s20 =	simm.s32 $0x1480;
	s21 =	simm.s32 $0x1880;
	s23 =	simm.s32 $0x2080  }
0x5: {  	s24 =	simm.s32 $0x2480;
	s25 =	simm.s32 $0x2C80;
	s26 =	simm.s32 $0x3080  }
0x6: {  	s9 =	simm.s32 $0x3C80;
	s4 =	sand.u32 $0x1, s2;
	s2 =	simm.s32 $0x0  }
0x7: {  	s10 =	simm.s32 $0x4480;
	s11 =	simm.s32 $0x4880;
	[smem:$0x7FF] =	sst s2  }
0x8: {  	s12 =	simm.s32 $0x5080;
	_ =	strace $0x80000047;
	[dreg:$0x6] =	wrdreg s18  }
0x9: {  	s13 =	simm.s32 $0x5480;
	s14 =	simm.s32 $0x5C80;
	[dreg:$0x7] =	wrdreg s19  }
0xa: {  	s15 =	simm.s32 $0x6080;
	s16 =	simm.s32 $0x6880;
	[dreg:$0x8] =	wrdreg s20  }
0xb: {  	s28 =	simm.s32 $0xA880;
	s29 =	simm.s32 $0xB080;
	[dreg:$0x9] =	wrdreg s21  }
0xc: {  	s30 =	simm.s32 $0xB480;
	s31 =	simm.s32 $0xBC80;
	[dreg:$0xa] =	wrdreg s23  }
0xd: {  	s6 =	sshll.u32 s0, $0x5;
	s7 =	sshll.u32 s4, $0x4;
	[dreg:$0xb] =	wrdreg s24  }
0xe: {  	s4 =	ssub.s32 $0x2, s4;
	s6 =	sor.u32 s7, s6;
	[dreg:$0xc] =	wrdreg s25  }
0xf: {  	s22 =	sshrl.u32 s4, $0x1;
	[dreg:$0xd] =	wrdreg s26;
	s18 =	simm.s32 $0x7480  }
0x10: {  	s19 =	simm.s32 $0x7880;
	s20 =	simm.s32 $0x8080;
	s21 =	simm.s32 $0x8480  }
0x11: {  	s23 =	simm.s32 $0x9080;
	s24 =	simm.s32 $0x9880;
	s25 =	simm.s32 $0x9C80  }
0x12: {  	s26 =	simm.s32 $0xA480;
	s7 =	smul.u32 $0x180, s6;
	s3 =	sadd.s32 s3, s6  }
0x13: {  	s6 =	ssub.s32 s4, s22;
	s4 =	sadd.s32 $0x900, s1;
	s22 =	simm.s32 $0x8C80  }
0x14: {  	v2 =	vlaneseq.u32;
	[dreg:$0x4] =	wrdreg s3;
	s3 =	sadd.s32 $0x800, s1;
	s1 =	simm.s32 $0x1  }
0x15: {  	vm0 =	vmmov $0xffff;
	vm1 =	vmmov $0xff;
	v1 =	vshrl.u32 v2, $0x3;
	s17 =	sadd.s32 s5, s7;
	s5 =	smax.u32 s6, $0x1;
	s6 =	simm.s32 $0x2  }
0x16: {  	v0 =	vand.u32 $0x7, v2;
	v2 =	vor.u32 $0x8, v2;
	v1 =	vmul.u32 $0x8, v1;
	s7 =	simm.s32 $0x80;
	[dreg:$0x5] =	wrdreg s17;
	s17 =	simm.s32 $0x6C80  }
.LBB2_1:
0x17: {  	s0 =	rddreg [dreg:$0x4]  }
0x18: {  	[tilespmem:s2], [sflag:$0x2] =	stream.linear.gather [hbm4b:s0+s2], $0x80, $0x38;
	[tilespmem:$0xC080] =	vst v63  }
0x19: {  	_ =	swait.ge [sflag:s6], $0x80  }
0x1a: {  	[sflag:s6] =	ssyncset.done $0x0  }
0x1b: {  	[sflag:s6] =	ssyncadd.s32 $0xFFFFFF80  }
0x1c: {  	v3 =	vld [tilespmem:$0x0];
	_ =	sdelay $0x4  }
0x1d: {  	v4 =	vshrl.u32 v3, $0x3  }
0x1e: {  	v4 =	vmul.u32 $0x18, v4  }
0x1f: {  	v3 =	vand.u32 $0x7, v3  }
0x20: {  	v3 =	vor.u32 v3, v4  }
0x21: {  	v4 =	vperm.xlane v3, v0;
	_ =	sdelay $0x1  }
0x22: {  	v4 =	vadd.s32 v1, v4;
	_ =	sdelay $0x1  }
0x23: {  	v3 =	vperm.xlane v3, v2;
	_ =	sdelay $0x1  }
0x24: {  	v3 =	vadd.s32 v1, v3  }
0x25: {  	[tilespmem:s7], [sflag:$0x1] =	stream.indirect_vreg.gather [hbm4b:s3+s2], $0x80, v4, vm0, $0xb8;
	[tilespmem:$0xC080] =	vst v63  }
0x26: {  	s0 =	rddreg [dreg:$0x6]  }
0x27: {  	[tilespmem:s0], [sflag:$0x1] =	stream.indirect_vreg.gather [hbm4b:s4+s2], $0x80, v4, vm1, $0xb8;
	[tilespmem:$0xC080] =	vst v63  }
0x28: {  	s8 =	rddreg [dreg:$0x7]  }
0x29: {  	[tilespmem:s8], [sflag:$0x1] =	stream.indirect_vreg.gather [hbm4b:s3+s2], $0x80, v3, vm0, $0xb8;
	[tilespmem:$0xC080] =	vst v63  }
0x2a: {  	s0 =	rddreg [dreg:$0x8]  }
0x2b: {  	[tilespmem:s0], [sflag:$0x1] =	stream.indirect_vreg.gather [hbm4b:s4+s2], $0x80, v3, vm1, $0xb8;
	[tilespmem:$0xC080] =	vst v63  }
0x2c: {  	v3 =	vld [tilespmem:$0x10];
	_ =	sdelay $0x4  }
0x2d: {  	v57 =	vshrl.u32 v3, $0x3  }
0x2e: {  	v4 =	vmul.u32 $0x18, v57  }
0x2f: {  	v3 =	vand.u32 $0x7, v3  }
0x30: {  	v3 =	vor.u32 v3, v4  }
0x31: {  	v4 =	vperm.xlane v3, v0;
	_ =	sdelay $0x1  }
0x32: {  	v4 =	vadd.s32 v1, v4;
	_ =	sdelay $0x1  }
0x33: {  	v3 =	vperm.xlane v3, v2;
	_ =	sdelay $0x1  }
0x34: {  	s0 =	rddreg [dreg:$0x9];
	v3 =	vadd.s32 v1, v3  }
0x35: {  	[tilespmem:s0], [sflag:$0x1] =	stream.indirect_vreg.gather [hbm4b:s3+s2], $0x80, v4, vm0, $0xb8;
	[tilespmem:$0xC080] =	vst v63  }
0x36: {  	s8 =	rddreg [dreg:$0xa]  }
0x37: {  	[tilespmem:s8], [sflag:$0x1] =	stream.indirect_vreg.gather [hbm4b:s4+s2], $0x80, v4, vm1, $0xb8;
	[tilespmem:$0xC080] =	vst v63  }
0x38: {  	s0 =	rddreg [dreg:$0xb]  }
0x39: {  	[tilespmem:s0], [sflag:$0x1] =	stream.indirect_vreg.gather [hbm4b:s3+s2], $0x80, v3, vm0, $0xb8;
	[tilespmem:$0xC080] =	vst v63  }
0x3a: {  	s8 =	rddreg [dreg:$0xc]  }
0x3b: {  	[tilespmem:s8], [sflag:$0x1] =	stream.indirect_vreg.gather [hbm4b:s4+s2], $0x80, v3, vm1, $0xb8;
	[tilespmem:$0xC080] =	vst v63  }
0x3c: {  	v3 =	vld [tilespmem:$0x20];
	_ =	sdelay $0x4  }
0x3d: {  	v58 =	vshrl.u32 v3, $0x3  }
0x3e: {  	v4 =	vmul.u32 $0x18, v58  }
0x3f: {  	v3 =	vand.u32 $0x7, v3  }
0x40: {  	v3 =	vor.u32 v3, v4  }
0x41: {  	v4 =	vperm.xlane v3, v0;
	_ =	sdelay $0x1  }
0x42: {  	v4 =	vadd.s32 v1, v4;
	_ =	sdelay $0x1  }
0x43: {  	v3 =	vperm.xlane v3, v2;
	_ =	sdelay $0x1  }
0x44: {  	s8 =	rddreg [dreg:$0xd];
	v3 =	vadd.s32 v1, v3  }
0x45: {  	[tilespmem:s8], [sflag:$0x1] =	stream.indirect_vreg.gather [hbm4b:s3+s2], $0x80, v4, vm0, $0xb8;
	[tilespmem:$0xC080] =	vst v63  }
0x46: {  	s8 =	simm.s32 $0x3880  }
0x47: {  	[tilespmem:s8], [sflag:$0x1] =	stream.indirect_vreg.gather [hbm4b:s4+s2], $0x80, v4, vm1, $0xb8;
	[tilespmem:$0xC080] =	vst v63  }
0x48: {  	_ = 	snop  }
0x49: {  	[tilespmem:s9], [sflag:$0x1] =	stream.indirect_vreg.gather [hbm4b:s3+s2], $0x80, v3, vm0, $0xb8;
	[tilespmem:$0xC080] =	vst v63  }
0x4a: {  	_ = 	snop  }
0x4b: {  	[tilespmem:s10], [sflag:$0x1] =	stream.indirect_vreg.gather [hbm4b:s4+s2], $0x80, v3, vm1, $0xb8;
	[tilespmem:$0xC080] =	vst v63  }
0x4c: {  	v3 =	vld [tilespmem:$0x30];
	_ =	sdelay $0x4  }
0x4d: {  	v59 =	vshrl.u32 v3, $0x3  }
0x4e: {  	v4 =	vmul.u32 $0x18, v59  }
0x4f: {  	v3 =	vand.u32 $0x7, v3  }
0x50: {  	v3 =	vor.u32 v3, v4  }
0x51: {  	v4 =	vperm.xlane v3, v0;
	_ =	sdelay $0x1  }
0x52: {  	v4 =	vadd.s32 v1, v4;
	_ =	sdelay $0x1  }
0x53: {  	v3 =	vperm.xlane v3, v2;
	_ =	sdelay $0x1  }
0x54: {  	v3 =	vadd.s32 v1, v3  }
0x55: {  	[tilespmem:s11], [sflag:$0x1] =	stream.indirect_vreg.gather [hbm4b:s3+s2], $0x80, v4, vm0, $0xb8;
	[tilespmem:$0xC080] =	vst v63  }
0x56: {  	_ = 	snop  }
0x57: {  	[tilespmem:s12], [sflag:$0x1] =	stream.indirect_vreg.gather [hbm4b:s4+s2], $0x80, v4, vm1, $0xb8;
	[tilespmem:$0xC080] =	vst v63  }
0x58: {  	_ = 	snop  }
0x59: {  	[tilespmem:s13], [sflag:$0x1] =	stream.indirect_vreg.gather [hbm4b:s3+s2], $0x80, v3, vm0, $0xb8;
	[tilespmem:$0xC080] =	vst v63  }
0x5a: {  	_ = 	snop  }
0x5b: {  	[tilespmem:s14], [sflag:$0x1] =	stream.indirect_vreg.gather [hbm4b:s4+s2], $0x80, v3, vm1, $0xb8;
	[tilespmem:$0xC080] =	vst v63  }
0x5c: {  	v3 =	vld [tilespmem:$0x40];
	_ =	sdelay $0x4  }
0x5d: {  	v60 =	vshrl.u32 v3, $0x3  }
0x5e: {  	v4 =	vmul.u32 $0x18, v60  }
0x5f: {  	v3 =	vand.u32 $0x7, v3  }
0x60: {  	v3 =	vor.u32 v3, v4  }
0x61: {  	v4 =	vperm.xlane v3, v0;
	_ =	sdelay $0x1  }
0x62: {  	v4 =	vadd.s32 v1, v4;
	_ =	sdelay $0x1  }
0x63: {  	v3 =	vperm.xlane v3, v2;
	_ =	sdelay $0x1  }
0x64: {  	v3 =	vadd.s32 v1, v3  }
0x65: {  	[tilespmem:s15], [sflag:$0x1] =	stream.indirect_vreg.gather [hbm4b:s3+s2], $0x80, v4, vm0, $0xb8;
	[tilespmem:$0xC080] =	vst v63  }
0x66: {  	_ = 	snop  }
0x67: {  	[tilespmem:s16], [sflag:$0x1] =	stream.indirect_vreg.gather [hbm4b:s4+s2], $0x80, v4, vm1, $0xb8;
	[tilespmem:$0xC080] =	vst v63  }
0x68: {  	_ = 	snop  }
0x69: {  	[tilespmem:s17], [sflag:$0x1] =	stream.indirect_vreg.gather [hbm4b:s3+s2], $0x80, v3, vm0, $0xb8;
	[tilespmem:$0xC080] =	vst v63  }
0x6a: {  	_ = 	snop  }
0x6b: {  	[tilespmem:s18], [sflag:$0x1] =	stream.indirect_vreg.gather [hbm4b:s4+s2], $0x80, v3, vm1, $0xb8;
	[tilespmem:$0xC080] =	vst v63  }
0x6c: {  	v3 =	vld [tilespmem:$0x50];
	_ =	sdelay $0x4  }
0x6d: {  	v61 =	vshrl.u32 v3, $0x3  }
0x6e: {  	v4 =	vmul.u32 $0x18, v61  }
0x6f: {  	v3 =	vand.u32 $0x7, v3  }
0x70: {  	v3 =	vor.u32 v3, v4  }
0x71: {  	v4 =	vperm.xlane v3, v0;
	_ =	sdelay $0x1  }
0x72: {  	v4 =	vadd.s32 v1, v4;
	_ =	sdelay $0x1  }
0x73: {  	v3 =	vperm.xlane v3, v2;
	_ =	sdelay $0x1  }
0x74: {  	v3 =	vadd.s32 v1, v3  }
0x75: {  	[tilespmem:s19], [sflag:$0x1] =	stream.indirect_vreg.gather [hbm4b:s3+s2], $0x80, v4, vm0, $0xb8;
	[tilespmem:$0xC080] =	vst v63  }
0x76: {  	_ = 	snop  }
0x77: {  	[tilespmem:s20], [sflag:$0x1] =	stream.indirect_vreg.gather [hbm4b:s4+s2], $0x80, v4, vm1, $0xb8;
	[tilespmem:$0xC080] =	vst v63  }
0x78: {  	_ = 	snop  }
0x79: {  	[tilespmem:s21], [sflag:$0x1] =	stream.indirect_vreg.gather [hbm4b:s3+s2], $0x80, v3, vm0, $0xb8;
	[tilespmem:$0xC080] =	vst v63  }
0x7a: {  	_ = 	snop  }
0x7b: {  	[tilespmem:s22], [sflag:$0x1] =	stream.indirect_vreg.gather [hbm4b:s4+s2], $0x80, v3, vm1, $0xb8;
	[tilespmem:$0xC080] =	vst v63  }
0x7c: {  	v3 =	vld [tilespmem:$0x60];
	_ =	sdelay $0x4  }
0x7d: {  	v62 =	vshrl.u32 v3, $0x3  }
0x7e: {  	v4 =	vmul.u32 $0x18, v62  }
0x7f: {  	v3 =	vand.u32 $0x7, v3  }
0x80: {  	v3 =	vor.u32 v3, v4  }
0x81: {  	v4 =	vperm.xlane v3, v0;
	_ =	sdelay $0x1  }
0x82: {  	v4 =	vadd.s32 v1, v4;
	_ =	sdelay $0x1  }
0x83: {  	v3 =	vperm.xlane v3, v2;
	_ =	sdelay $0x1  }
0x84: {  	v3 =	vadd.s32 v1, v3  }
0x85: {  	[tilespmem:s23], [sflag:$0x1] =	stream.indirect_vreg.gather [hbm4b:s3+s2], $0x80, v4, vm0, $0xb8;
	[tilespmem:$0xC080] =	vst v63  }
0x86: {  	_ = 	snop  }
0x87: {  	[tilespmem:s24], [sflag:$0x1] =	stream.indirect_vreg.gather [hbm4b:s4+s2], $0x80, v4, vm1, $0xb8;
	[tilespmem:$0xC080] =	vst v63  }
0x88: {  	_ = 	snop  }
0x89: {  	[tilespmem:s25], [sflag:$0x1] =	stream.indirect_vreg.gather [hbm4b:s3+s2], $0x80, v3, vm0, $0xb8;
	[tilespmem:$0xC080] =	vst v63  }
0x8a: {  	_ = 	snop  }
0x8b: {  	[tilespmem:s26], [sflag:$0x1] =	stream.indirect_vreg.gather [hbm4b:s4+s2], $0x80, v3, vm1, $0xb8;
	[tilespmem:$0xC080] =	vst v63  }
0x8c: {  	v3 =	vld [tilespmem:$0x70];
	_ =	sdelay $0x4  }
0x8d: {  	v63 =	vshrl.u32 v3, $0x3  }
0x8e: {  	v4 =	vmul.u32 $0x18, v63  }
0x8f: {  	v3 =	vand.u32 $0x7, v3  }
0x90: {  	v3 =	vor.u32 v3, v4  }
0x91: {  	v4 =	vperm.xlane v3, v0;
	_ =	sdelay $0x1  }
0x92: {  	v4 =	vadd.s32 v1, v4;
	_ =	sdelay $0x1  }
0x93: {  	v3 =	vperm.xlane v3, v2;
	_ =	sdelay $0x1  }
0x94: {  	v3 =	vadd.s32 v1, v3  }
0x95: {  	[tilespmem:s28], [sflag:$0x1] =	stream.indirect_vreg.gather [hbm4b:s3+s2], $0x80, v4, vm0, $0xb8;
	[tilespmem:$0xC080] =	vst v63  }
0x96: {  	_ = 	snop  }
0x97: {  	[tilespmem:s29], [sflag:$0x1] =	stream.indirect_vreg.gather [hbm4b:s4+s2], $0x80, v4, vm1, $0xb8;
	[tilespmem:$0xC080] =	vst v63  }
0x98: {  	_ = 	snop  }
0x99: {  	[tilespmem:s30], [sflag:$0x1] =	stream.indirect_vreg.gather [hbm4b:s3+s2], $0x80, v3, vm0, $0xb8;
	[tilespmem:$0xC080] =	vst v63  }
0x9a: {  	_ = 	snop  }
0x9b: {  	[tilespmem:s31], [sflag:$0x1] =	stream.indirect_vreg.gather [hbm4b:s4+s2], $0x80, v3, vm1, $0xb8;
	[tilespmem:$0xC080] =	vst v63  }
0x9c: {  	_ =	swait.ge [sflag:s1], $0xC000  }
0x9d: {  	p0 =	sne.s32 s5, $0x1;
	[sflag:s1] =	ssyncset.done $0x0  }
.Ltmp0:
0x9e: {  	s8 =	rddreg [dreg:$0x5];
	[sflag:s1] =	ssyncadd.s32 $0xFFFF4000;
	(pc) =	sbr.rel @p0 .LBB2_1-.Ltmp0, $4  }
0x9f: {  	[hbm4b:s8+s2] =	stream.linear.scatter [tilespmem:s7], [sflag:$0x2], $0xC000, $0x38;
	[tilespmem:$0xC080] =	vst v63  }
0xa0: {  	_ =	swait.ge [sflag:s6], $0xC000  }
0xa1: {  	[sflag:s6] =	ssyncset.done $0x0  }
0xa2: {  	s5 =	sadd.s32 $0xFFFFFFFF, s5;
	[sflag:s6] =	ssyncadd.s32 $0xFFFF4000  }
0xa3: {  	_ =	sfence.sel $0x180000  }
0xa4: {  	[bflag:$0x0] =	sbarrier.arrive $0xFFFF  }
0xa5: {  	_ =	strace $0x90000047  }
0xa6: {  	s0 =	stileid.u32;
	[bflag:$0x2] =	sbarrier.arrive $0xFFFF  }
0xa7: {  	p0 =	sne.s32 s0, $0x0;
	s0 =	rddreg [dreg:$0x3]  }
0xa8: {  	s0 =	sadd.s32 @!p0 $0x100000, s0  }
0xa9: {  	[sflag:s0] =	ssyncadd.tile.s32 @!p0 $0x1;
	_ =	shalt  }
.Lfunc_end2:
_tile_overlayer_lowered:
.L_overlay_start_2:
0xaa: {  	(tag) =	ssettag $0x2  }
0xab: {  	s0 =	rddreg [dreg:$0x0];
	s2 =	stileid.u32  }
0xac: {  	s1 =	rddreg [dreg:$0x1];
	p0 =	sne.s32 s2, $0x0  }
0xad: {  	s3 =	rddreg [dreg:$0x2];
	[bflag:$0x3] =	sbarrier.arrive $0xFFFF;
	s2 =	simm.s32 @!p0 $0x1C02  }
0xae: {  	[timem:s3], [sflag:s2] =	dma.local @!p0 [hbm:s0], s1  }
0xaf: {  	s0 =	simm.s32 @!p0 $0x2  }
0xb0: {  	_ =	swait.ge @!p0 [sflag:s0], s1  }
0xb1: {  	s1 =	ssub.s32 @!p0 $0x0, s1;
	[sflag:s0] =	ssyncset.done @!p0 $0x0  }
0xb2: {  	[sflag:s0] =	ssyncadd.s32 @!p0 s1  }
0xb3: {  	[bflag:$0x3] =	sbarrier.arrive $0xFFFF  }
0xb4: {  	_ =	shalt  }

</sc_bundles>
